<compile_context>
chip_gen: v7x
topology: tpu7x:2x2x1
jax: 0.10.2.dev20260603
libtpu: 0.0.44.dev20260713+nightly
codegen_flags: <defaults>
</compile_context>

<pallas_src>
import functools

import jax
import jax.numpy as jnp
import numpy as np
from jax import lax
from jax.experimental import pallas as pl
from jax.experimental.pallas import tpu as pltpu
from jax.experimental.pallas import tpu_sc as plsc

_TAU = 0.5
_K = 10
_EPS = float(np.finfo(np.float32).eps)

_B, _N = 64, 32768
_L = 16
_NSL = _N // _L
_NC, _NS = 2, 16
_NW = _NC * _NS
_RPW = _B // _NW
_PREP_ROWS = 8


_ROT_A = (13, 15, 26, 6)
_ROT_B = (17, 29, 16, 24)


def _np_threefry2x32(k1, k2, x0, x1):
    def rotl(x, d):
        return np.uint32((int(x) << d | int(x) >> (32 - d)) & 0xFFFFFFFF)

    ks = (np.uint32(k1), np.uint32(k2),
          np.uint32(k1) ^ np.uint32(k2) ^ np.uint32(0x1BD11BDA))
    x0 = np.uint32((int(x0) + int(ks[0])) & 0xFFFFFFFF)
    x1 = np.uint32((int(x1) + int(ks[1])) & 0xFFFFFFFF)
    seq = ((_ROT_A, ks[1], ks[2], 1), (_ROT_B, ks[2], ks[0], 2),
           (_ROT_A, ks[0], ks[1], 3), (_ROT_B, ks[1], ks[2], 4),
           (_ROT_A, ks[2], ks[0], 5))
    for rots, ka, kb, c in seq:
        for d in rots:
            x0 = np.uint32((int(x0) + int(x1)) & 0xFFFFFFFF)
            x1 = rotl(x1, d)
            x1 = x0 ^ x1
        x0 = np.uint32((int(x0) + int(ka)) & 0xFFFFFFFF)
        x1 = np.uint32((int(x1) + int(kb) + c) & 0xFFFFFFFF)
    return x0, x1


_FK1, _FK2 = (int(v) for v in _np_threefry2x32(0, 0, 0, 7))


def _uniform_bits(nrows, row0):
    flat = (jnp.arange(row0 * _N, (row0 + nrows) * _N, dtype=jnp.uint32)
            .reshape(nrows, _N))
    ks0 = jnp.uint32(_FK1)
    ks1 = jnp.uint32(_FK2)
    ks2 = jnp.uint32(_FK1 ^ _FK2 ^ 0x1BD11BDA)
    x0 = jnp.full((nrows, _N), ks0, jnp.uint32)
    x1 = flat + ks1
    seq = ((_ROT_A, ks1, ks2, 1), (_ROT_B, ks2, ks0, 2),
           (_ROT_A, ks0, ks1, 3), (_ROT_B, ks1, ks2, 4),
           (_ROT_A, ks2, ks0, 5))
    for rots, ka, kb, cc in seq:
        for d in rots:
            x0 = x0 + x1
            x1 = (x1 << jnp.uint32(d)) | (x1 >> jnp.uint32(32 - d))
            x1 = x0 ^ x1
        x0 = x0 + ka
        x1 = x1 + kb + jnp.uint32(cc)
    bits = x0 ^ x1
    fb = (bits >> jnp.uint32(9)) | jnp.uint32(0x3F800000)
    f = lax.bitcast_convert_type(fb, jnp.float32) - jnp.float32(1.0)
    return jnp.maximum(jnp.float32(_EPS),
                       f * jnp.float32(1.0 - _EPS) + jnp.float32(_EPS))


def _w_init(x, row0, nrows):
    u = _uniform_bits(nrows, row0)
    xs = lax.slice_in_dim(x, row0, row0 + nrows, axis=0)
    g = -jnp.log(-jnp.log(u))
    return jnp.exp((xs + g) * (1.0 / _TAU))


def _sc_iterate(w, prev=None):
    nrows = w.shape[0]
    rpw = nrows // _NW
    out_elems = (nrows * _N) if prev is None else (2 * nrows * _N)
    mesh = plsc.VectorSubcoreMesh(core_axis_name="c", subcore_axis_name="s")

    scratch = [
        pltpu.VMEM((_N,), jnp.float32),
        pltpu.VMEM((_N,), jnp.float32),
        pltpu.VMEM((_L,), jnp.float32),
    ]
    if prev is not None:
        scratch += [pltpu.VMEM((_N,), jnp.float32),
                    pltpu.SemaphoreType.DMA]

    @functools.partial(
        pl.kernel,
        mesh=mesh,
        out_type=jax.ShapeDtypeStruct((out_elems,), jnp.float32),
        compiler_params=pltpu.CompilerParams(needs_layout_passes=False),
        scratch_types=scratch,
    )
    def run(w_hbm, *rest):
        if prev is None:
            out_hbm, wbuf, kbuf, sbuf = rest
            prev_copy = None
        else:
            prev_hbm, out_hbm, wbuf, kbuf, sbuf, bbuf, sem = rest
        wid = lax.axis_index("s") * _NC + lax.axis_index("c")
        zeros = jnp.zeros((_L,), jnp.float32)
        lanes = lax.iota(jnp.int32, _L)
        out_base = 0 if prev is None else nrows * _N

        def lane_sum(v):
            for sh in (8, 4, 2, 1):
                sbuf[...] = v
                v = v + plsc.load_gather(sbuf, [lanes ^ sh])
            return v

        for j in range(rpw):
            row = wid * rpw + j
            if prev is not None:
                prev_copy = pltpu.async_copy(
                    prev_hbm.at[pl.ds(row * _N, _N)], bbuf, sem)
            pltpu.sync_copy(w_hbm.at[row], wbuf)

            def sum_body(off, vsum):
                return vsum + wbuf[pl.ds(off, _L)]

            vsum = plsc.parallel_loop(0, _N, _L, unroll=8,
                                      carry=zeros)(sum_body)
            s = lane_sum(vsum)

            inv0 = 1.0 / s

            def first_body(off, vsum):
                sl = pl.ds(off, _L)
                p = wbuf[sl] * inv0
                kbuf[sl] = p
                mask = jnp.maximum(1.0 - p, _EPS)
                w2 = p * (mask * mask)
                wbuf[sl] = w2
                return vsum + w2

            vsum = plsc.parallel_loop(0, _N, _L, unroll=8,
                                      carry=zeros)(first_body)
            s = lane_sum(vsum)

            def round_body(t, s):
                inv = 1.0 / s

                def body(off, vsum):
                    sl = pl.ds(off, _L)
                    p = wbuf[sl] * inv
                    plsc.addupdate(kbuf.at[sl], p)
                    mask = jnp.maximum(1.0 - p, _EPS)
                    w2 = p * (mask * mask)
                    wbuf[sl] = w2
                    return vsum + w2

                vsum = plsc.parallel_loop(0, _N, _L, unroll=8,
                                          carry=zeros)(body)
                return lane_sum(vsum)

            s = lax.fori_loop(0, _K - 2, round_body, s)

            inv = 1.0 / s

            def last_body(off):
                sl = pl.ds(off, _L)
                plsc.addupdate(kbuf.at[sl], wbuf[sl] * inv)

            plsc.parallel_loop(0, _N, _L, unroll=8)(last_body)
            pltpu.sync_copy(kbuf,
                            out_hbm.at[pl.ds(out_base + row * _N, _N)])
            if prev is not None:
                prev_copy.wait()
                pltpu.sync_copy(bbuf, out_hbm.at[pl.ds(row * _N, _N)])

    return run(w) if prev is None else run(w, prev)


def kernel(logits):
    x = jnp.squeeze(logits, 2)
    half = _B // 2
    khot0 = _sc_iterate(_w_init(x, 0, half))
    full = _sc_iterate(_w_init(x, half, half), prev=khot0)
    return full.reshape(_B, _N, 1)

# --- scband reference (transcript-rebuilt; emitter-appended) ---
"""Pipeline reference for scband-sample-subset-24137716204259 (READ-ONLY COPY).

The authoritative reference and input builder live on the scoring server;
editing this copy changes nothing except your own understanding.
"""

import jax, jax.numpy as jnp
import numpy as np

TAU0 = 0.5
K_SUBSET = 10
EPS = float(np.finfo(np.float32).eps)


def sample_subset(logits, k, tau, key):
    # Relaxed k-hot subset sampling (Gumbel-softmax based continuous top-k),
    # matching the standard sample_subset used with this layer.
    u = jax.random.uniform(key, logits.shape, dtype=jnp.float32, minval=EPS, maxval=1.0)
    gumbel = -jnp.log(-jnp.log(u))
    l = logits + gumbel
    khot = jnp.zeros_like(logits)
    onehot_approx = jnp.zeros_like(logits)
    for _ in range(k):
        khot_mask = jnp.maximum(1.0 - onehot_approx, EPS)
        l = l + jnp.log(khot_mask)
        onehot_approx = jax.nn.softmax(l / tau, axis=-1)
        khot = khot + onehot_approx
    return khot


def setup_inputs(seed: int = 0):
    key = jax.random.key(seed)
    logits = jax.random.normal(jax.random.fold_in(key, 1), (64, 32768, 1), dtype=jnp.float32)
    return {"logits": logits}


def reference(logits):
    # forward of SampleSubset.call (training phase branch of K.in_train_phase)
    x = jnp.squeeze(logits, 2)  # [B, N]
    samples = sample_subset(x, K_SUBSET, TAU0, jax.random.fold_in(jax.random.key(0), 7))
    # test-phase discrete path (computed faithfully; training branch is returned)
    topk_vals = jax.lax.top_k(x, K_SUBSET)[0]
    threshold = topk_vals[:, -1][:, None]
    discrete_logits = (x >= threshold).astype(jnp.float32)
    out = samples  # K.in_train_phase(samples, discrete_logits) with learning_phase=1
    return jnp.expand_dims(out, -1)

if __name__ == "__main__":
    import jax
    _d = setup_inputs()
    print(jax.jit(kernel)(*tuple(_d.values())))

</pallas_src>

<mosaic_0001>
#map = affine_map<(d0, d1) -> (0, 0)>
#map1 = affine_map<(d0, d1) -> (0)>
module attributes {stable_mosaic.version = 14 : i64} {
  func.func @run(%arg0: i32, %arg1: i32, %arg2: memref<32x32768xf32, #tpu.memory_space<hbm>>, %arg3: memref<1048576xf32, #tpu.memory_space<hbm>>, %arg4: memref<32768xf32, #tpu.memory_space<vmem>>, %arg5: memref<32768xf32, #tpu.memory_space<vmem>>, %arg6: memref<16xf32, #tpu.memory_space<vmem>>) attributes {dimension_semantics = [#tpu.dimension_semantics<core_parallel>, #tpu.dimension_semantics<subcore_parallel>], iteration_bounds = array<i64: 2, 16>, scalar_prefetch = 0 : i64, scratch_operands = 3 : i64, tpu.core_type = #tpu.core_type<sc_vector_subcore>, window_params = [{transform_indices = #map}, {transform_indices = #map1}]} {
    %mul3A = arith.constant 2 : i32
    %mul3A_0 = arith.muli %arg1, %mul3A : i32
    %add3A = arith.addi %mul3A_0, %arg0 : i32
    %broadcast_in_dim3A = arith.constant 0.000000e+00 : f32
    %broadcast_in_dim3A_1 = vector.broadcast %broadcast_in_dim3A : f32 to vector<16xf32>
    %iota3A = tpu.iota {dimensions = array<i32: 0>} : vector<16xi32>
    %mul3A_2 = arith.constant 1 : i32
    %mul3A_3 = arith.muli %add3A, %mul3A_2 : i32
    %add3A_4 = arith.constant 0 : i32
    %add3A_5 = arith.addi %mul3A_3, %add3A_4 : i32
    "tpu.region"() ({
      %run_scoped3A = tpu.sem_alloc : memref<!tpu.dma_semaphore, #tpu.memory_space<semaphore_mem>>
      %dma_start3A = arith.constant 0 : i32
      %dma_start3A_83 = tpu.memref_slice %arg2[%add3A_5, %dma_start3A] : memref<32x32768xf32, #tpu.memory_space<hbm>> -> memref<1x32768xf32, #tpu.memory_space<hbm>>
      %dma_start3A_84 = tpu.memref_squeeze %dma_start3A_83 : memref<1x32768xf32, #tpu.memory_space<hbm>> -> memref<32768xf32, #tpu.memory_space<hbm>>
      %dma_start3A_85 = arith.constant 0 : i32
      %dma_start3A_86 = tpu.memref_slice %arg2[%add3A_5, %dma_start3A_85] : memref<32x32768xf32, #tpu.memory_space<hbm>> -> memref<1x32768xf32, #tpu.memory_space<hbm>>
      %dma_start3A_87 = tpu.memref_squeeze %dma_start3A_86 : memref<1x32768xf32, #tpu.memory_space<hbm>> -> memref<32768xf32, #tpu.memory_space<hbm>>
      tpu.enqueue_dma source(%dma_start3A_87 : memref<32768xf32, #tpu.memory_space<hbm>>) target(%arg4 : memref<32768xf32, #tpu.memory_space<vmem>>) target_semaphore(%run_scoped3A : memref<!tpu.dma_semaphore, #tpu.memory_space<semaphore_mem>>)
      %dma_wait3A = arith.constant 0 : i32
      %dma_wait3A_88 = tpu.memref_slice %arg2[%add3A_5, %dma_wait3A] : memref<32x32768xf32, #tpu.memory_space<hbm>> -> memref<1x32768xf32, #tpu.memory_space<hbm>>
      %dma_wait3A_89 = tpu.memref_squeeze %dma_wait3A_88 : memref<1x32768xf32, #tpu.memory_space<hbm>> -> memref<32768xf32, #tpu.memory_space<hbm>>
      %dma_wait3A_90 = arith.constant 0 : i32
      %dma_wait3A_91 = tpu.memref_slice %arg2[%add3A_5, %dma_wait3A_90] : memref<32x32768xf32, #tpu.memory_space<hbm>> -> memref<1x32768xf32, #tpu.memory_space<hbm>>
      %dma_wait3A_92 = tpu.memref_squeeze %dma_wait3A_91 : memref<1x32768xf32, #tpu.memory_space<hbm>> -> memref<32768xf32, #tpu.memory_space<hbm>>
      tpu.wait_dma2 semaphore(%run_scoped3A : memref<!tpu.dma_semaphore, #tpu.memory_space<semaphore_mem>>) src(%dma_wait3A_92 : memref<32768xf32, #tpu.memory_space<hbm>>) dst(%arg4 : memref<32768xf32, #tpu.memory_space<vmem>>)
      tpu.yield
    }) : () -> ()
    %parallel_loop3A = arith.constant 0 : i32
    %parallel_loop3A_6 = arith.constant 32768 : i32
    %parallel_loop3A_7 = arith.constant 16 : i32
    %parallel_loop3A_8 = scf.for %parallel_loop3A_83 = %parallel_loop3A to %parallel_loop3A_6 step %parallel_loop3A_7 iter_args(%parallel_loop3A_84 = %broadcast_in_dim3A_1) -> (vector<16xf32>)  : i32 {
      %parallel_loop3A_85 = arith.index_cast %parallel_loop3A_83 : i32 to index
      %parallel_loop3A_86 = tpu.vector_load %arg4[%parallel_loop3A_85] {strides = array<i32>} : memref<32768xf32, #tpu.memory_space<vmem>>, vector<16xf32>,
      %parallel_loop3A_87 = arith.addf %parallel_loop3A_84, %parallel_loop3A_86 : vector<16xf32>
      scf.yield %parallel_loop3A_87 : vector<16xf32>
    } {sc.loop_unroll_factor = 8 : i64, sc.parallel_access}
    %swap3A = arith.constant 0 : index
    %swap3A_9 = tpu.vector_load %arg6[%swap3A] {strides = array<i32>} : memref<16xf32, #tpu.memory_space<vmem>>, vector<16xf32>,
    tpu.vector_store %arg6[%swap3A], %parallel_loop3A_8 {strides = array<i32>} : memref<16xf32, #tpu.memory_space<vmem>>, vector<16xf32>,
    %xor3A = arith.constant 8 : i32
    %xor3A_10 = vector.broadcast %xor3A : i32 to vector<16xi32>
    %xor3A_11 = arith.xori %iota3A, %xor3A_10 : vector<16xi32>
    %gather3A = tpu.vector_load_idx %arg6[%xor3A_11] : memref<16xf32, #tpu.memory_space<vmem>>[vector<16xi32>], vector<16xf32>,
    %add3A_12 = arith.addf %parallel_loop3A_8, %gather3A : vector<16xf32>
    %swap3A_13 = arith.constant 0 : index
    %swap3A_14 = tpu.vector_load %arg6[%swap3A_13] {strides = array<i32>} : memref<16xf32, #tpu.memory_space<vmem>>, vector<16xf32>,
    tpu.vector_store %arg6[%swap3A_13], %add3A_12 {strides = array<i32>} : memref<16xf32, #tpu.memory_space<vmem>>, vector<16xf32>,
    %xor3A_15 = arith.constant 4 : i32
    %xor3A_16 = vector.broadcast %xor3A_15 : i32 to vector<16xi32>
    %xor3A_17 = arith.xori %iota3A, %xor3A_16 : vector<16xi32>
    %gather3A_18 = tpu.vector_load_idx %arg6[%xor3A_17] : memref<16xf32, #tpu.memory_space<vmem>>[vector<16xi32>], vector<16xf32>,
    %add3A_19 = arith.addf %add3A_12, %gather3A_18 : vector<16xf32>
    %swap3A_20 = arith.constant 0 : index
    %swap3A_21 = tpu.vector_load %arg6[%swap3A_20] {strides = array<i32>} : memref<16xf32, #tpu.memory_space<vmem>>, vector<16xf32>,
    tpu.vector_store %arg6[%swap3A_20], %add3A_19 {strides = array<i32>} : memref<16xf32, #tpu.memory_space<vmem>>, vector<16xf32>,
    %xor3A_22 = arith.constant 2 : i32
    %xor3A_23 = vector.broadcast %xor3A_22 : i32 to vector<16xi32>
    %xor3A_24 = arith.xori %iota3A, %xor3A_23 : vector<16xi32>
    %gather3A_25 = tpu.vector_load_idx %arg6[%xor3A_24] : memref<16xf32, #tpu.memory_space<vmem>>[vector<16xi32>], vector<16xf32>,
    %add3A_26 = arith.addf %add3A_19, %gather3A_25 : vector<16xf32>
    %swap3A_27 = arith.constant 0 : index
    %swap3A_28 = tpu.vector_load %arg6[%swap3A_27] {strides = array<i32>} : memref<16xf32, #tpu.memory_space<vmem>>, vector<16xf32>,
    tpu.vector_store %arg6[%swap3A_27], %add3A_26 {strides = array<i32>} : memref<16xf32, #tpu.memory_space<vmem>>, vector<16xf32>,
    %xor3A_29 = arith.constant 1 : i32
    %xor3A_30 = vector.broadcast %xor3A_29 : i32 to vector<16xi32>
    %xor3A_31 = arith.xori %iota3A, %xor3A_30 : vector<16xi32>
    %gather3A_32 = tpu.vector_load_idx %arg6[%xor3A_31] : memref<16xf32, #tpu.memory_space<vmem>>[vector<16xi32>], vector<16xf32>,
    %add3A_33 = arith.addf %add3A_26, %gather3A_32 : vector<16xf32>
    %div3A = arith.constant 1.000000e+00 : f32
    %div3A_34 = vector.broadcast %div3A : f32 to vector<16xf32>
    %div3A_35 = arith.divf %div3A_34, %add3A_33 : vector<16xf32>
    %parallel_loop3A_36 = arith.constant 0 : i32
    %parallel_loop3A_37 = arith.constant 32768 : i32
    %parallel_loop3A_38 = arith.constant 16 : i32
    %parallel_loop3A_39 = scf.for %parallel_loop3A_83 = %parallel_loop3A_36 to %parallel_loop3A_37 step %parallel_loop3A_38 iter_args(%parallel_loop3A_84 = %broadcast_in_dim3A_1) -> (vector<16xf32>)  : i32 {
      %parallel_loop3A_85 = arith.index_cast %parallel_loop3A_83 : i32 to index
      %parallel_loop3A_86 = tpu.vector_load %arg4[%parallel_loop3A_85] {strides = array<i32>} : memref<32768xf32, #tpu.memory_space<vmem>>, vector<16xf32>,
      %parallel_loop3A_87 = arith.mulf %parallel_loop3A_86, %div3A_35 : vector<16xf32>
      %parallel_loop3A_88 = arith.index_cast %parallel_loop3A_83 : i32 to index
      %parallel_loop3A_89 = tpu.vector_load %arg5[%parallel_loop3A_88] {strides = array<i32>} : memref<32768xf32, #tpu.memory_space<vmem>>, vector<16xf32>,
      tpu.vector_store %arg5[%parallel_loop3A_88], %parallel_loop3A_87 {strides = array<i32>} : memref<32768xf32, #tpu.memory_space<vmem>>, vector<16xf32>,
      %parallel_loop3A_90 = arith.constant 1.000000e+00 : f32
      %parallel_loop3A_91 = vector.broadcast %parallel_loop3A_90 : f32 to vector<16xf32>
      %parallel_loop3A_92 = arith.subf %parallel_loop3A_91, %parallel_loop3A_87 : vector<16xf32>
      %parallel_loop3A_93 = arith.constant 1.1920929E-7 : f32
      %parallel_loop3A_94 = vector.broadcast %parallel_loop3A_93 : f32 to vector<16xf32>
      %parallel_loop3A_95 = arith.maximumf %parallel_loop3A_92, %parallel_loop3A_94 : vector<16xf32>
      %parallel_loop3A_96 = arith.mulf %parallel_loop3A_95, %parallel_loop3A_95 : vector<16xf32>
      %parallel_loop3A_97 = arith.mulf %parallel_loop3A_87, %parallel_loop3A_96 : vector<16xf32>
      %parallel_loop3A_98 = arith.index_cast %parallel_loop3A_83 : i32 to index
      %parallel_loop3A_99 = tpu.vector_load %arg4[%parallel_loop3A_98] {strides = array<i32>} : memref<32768xf32, #tpu.memory_space<vmem>>, vector<16xf32>,
      tpu.vector_store %arg4[%parallel_loop3A_98], %parallel_loop3A_97 {strides = array<i32>} : memref<32768xf32, #tpu.memory_space<vmem>>, vector<16xf32>,
      %parallel_loop3A_100 = arith.addf %parallel_loop3A_84, %parallel_loop3A_97 : vector<16xf32>
      scf.yield %parallel_loop3A_100 : vector<16xf32>
    } {sc.loop_unroll_factor = 8 : i64, sc.parallel_access}
    %swap3A_40 = arith.constant 0 : index
    %swap3A_41 = tpu.vector_load %arg6[%swap3A_40] {strides = array<i32>} : memref<16xf32, #tpu.memory_space<vmem>>, vector<16xf32>,
    tpu.vector_store %arg6[%swap3A_40], %parallel_loop3A_39 {strides = array<i32>} : memref<16xf32, #tpu.memory_space<vmem>>, vector<16xf32>,
    %xor3A_42 = arith.constant 8 : i32
    %xor3A_43 = vector.broadcast %xor3A_42 : i32 to vector<16xi32>
    %xor3A_44 = arith.xori %iota3A, %xor3A_43 : vector<16xi32>
    %gather3A_45 = tpu.vector_load_idx %arg6[%xor3A_44] : memref<16xf32, #tpu.memory_space<vmem>>[vector<16xi32>], vector<16xf32>,
    %add3A_46 = arith.addf %parallel_loop3A_39, %gather3A_45 : vector<16xf32>
    %swap3A_47 = arith.constant 0 : index
    %swap3A_48 = tpu.vector_load %arg6[%swap3A_47] {strides = array<i32>} : memref<16xf32, #tpu.memory_space<vmem>>, vector<16xf32>,
    tpu.vector_store %arg6[%swap3A_47], %add3A_46 {strides = array<i32>} : memref<16xf32, #tpu.memory_space<vmem>>, vector<16xf32>,
    %xor3A_49 = arith.constant 4 : i32
    %xor3A_50 = vector.broadcast %xor3A_49 : i32 to vector<16xi32>
    %xor3A_51 = arith.xori %iota3A, %xor3A_50 : vector<16xi32>
    %gather3A_52 = tpu.vector_load_idx %arg6[%xor3A_51] : memref<16xf32, #tpu.memory_space<vmem>>[vector<16xi32>], vector<16xf32>,
    %add3A_53 = arith.addf %add3A_46, %gather3A_52 : vector<16xf32>
    %swap3A_54 = arith.constant 0 : index
    %swap3A_55 = tpu.vector_load %arg6[%swap3A_54] {strides = array<i32>} : memref<16xf32, #tpu.memory_space<vmem>>, vector<16xf32>,
    tpu.vector_store %arg6[%swap3A_54], %add3A_53 {strides = array<i32>} : memref<16xf32, #tpu.memory_space<vmem>>, vector<16xf32>,
    %xor3A_56 = arith.constant 2 : i32
    %xor3A_57 = vector.broadcast %xor3A_56 : i32 to vector<16xi32>
    %xor3A_58 = arith.xori %iota3A, %xor3A_57 : vector<16xi32>
    %gather3A_59 = tpu.vector_load_idx %arg6[%xor3A_58] : memref<16xf32, #tpu.memory_space<vmem>>[vector<16xi32>], vector<16xf32>,
    %add3A_60 = arith.addf %add3A_53, %gather3A_59 : vector<16xf32>
    %swap3A_61 = arith.constant 0 : index
    %swap3A_62 = tpu.vector_load %arg6[%swap3A_61] {strides = array<i32>} : memref<16xf32, #tpu.memory_space<vmem>>, vector<16xf32>,
    tpu.vector_store %arg6[%swap3A_61], %add3A_60 {strides = array<i32>} : memref<16xf32, #tpu.memory_space<vmem>>, vector<16xf32>,
    %xor3A_63 = arith.constant 1 : i32
    %xor3A_64 = vector.broadcast %xor3A_63 : i32 to vector<16xi32>
    %xor3A_65 = arith.xori %iota3A, %xor3A_64 : vector<16xi32>
    %gather3A_66 = tpu.vector_load_idx %arg6[%xor3A_65] : memref<16xf32, #tpu.memory_space<vmem>>[vector<16xi32>], vector<16xf32>,
    %add3A_67 = arith.addf %add3A_60, %gather3A_66 : vector<16xf32>
    %scan3A = arith.constant 0 : i32
    %scan3A_68 = arith.constant 8 : i32
    %scan3A_69 = arith.addi %scan3A, %scan3A_68 : i32
    %scan3A_70 = arith.constant 1 : i32
    %scan3A_71 = scf.for %scan3A_83 = %scan3A to %scan3A_69 step %scan3A_70 iter_args(%scan3A_84 = %add3A_67) -> (vector<16xf32>)  : i32 {
      %div3A_85 = arith.constant 1.000000e+00 : f32
      %div3A_86 = vector.broadcast %div3A_85 : f32 to vector<16xf32>
      %div3A_87 = arith.divf %div3A_86, %scan3A_84 : vector<16xf32>
      %parallel_loop3A_88 = arith.constant 0 : i32
      %parallel_loop3A_89 = arith.constant 32768 : i32
      %parallel_loop3A_90 = arith.constant 16 : i32
      %parallel_loop3A_91 = scf.for %parallel_loop3A_120 = %parallel_loop3A_88 to %parallel_loop3A_89 step %parallel_loop3A_90 iter_args(%parallel_loop3A_121 = %broadcast_in_dim3A_1) -> (vector<16xf32>)  : i32 {
        %parallel_loop3A_122 = arith.index_cast %parallel_loop3A_120 : i32 to index
        %parallel_loop3A_123 = tpu.vector_load %arg4[%parallel_loop3A_122] {strides = array<i32>} : memref<32768xf32, #tpu.memory_space<vmem>>, vector<16xf32>,
        %parallel_loop3A_124 = arith.mulf %parallel_loop3A_123, %div3A_87 : vector<16xf32>
        %parallel_loop3A_125 = arith.index_cast %parallel_loop3A_120 : i32 to index
        %parallel_loop3A_126 = tpu.vector_load %arg5[%parallel_loop3A_125] {strides = array<i32>} : memref<32768xf32, #tpu.memory_space<vmem>>, vector<16xf32>,
        tpu.vector_store %arg5[%parallel_loop3A_125], %parallel_loop3A_124 {add = true, strides = array<i32>} : memref<32768xf32, #tpu.memory_space<vmem>>, vector<16xf32>,
        %parallel_loop3A_127 = arith.constant 1.000000e+00 : f32
        %parallel_loop3A_128 = vector.broadcast %parallel_loop3A_127 : f32 to vector<16xf32>
        %parallel_loop3A_129 = arith.subf %parallel_loop3A_128, %parallel_loop3A_124 : vector<16xf32>
        %parallel_loop3A_130 = arith.constant 1.1920929E-7 : f32
        %parallel_loop3A_131 = vector.broadcast %parallel_loop3A_130 : f32 to vector<16xf32>
        %parallel_loop3A_132 = arith.maximumf %parallel_loop3A_129, %parallel_loop3A_131 : vector<16xf32>
        %parallel_loop3A_133 = arith.mulf %parallel_loop3A_132, %parallel_loop3A_132 : vector<16xf32>
        %parallel_loop3A_134 = arith.mulf %parallel_loop3A_124, %parallel_loop3A_133 : vector<16xf32>
        %parallel_loop3A_135 = arith.index_cast %parallel_loop3A_120 : i32 to index
        %parallel_loop3A_136 = tpu.vector_load %arg4[%parallel_loop3A_135] {strides = array<i32>} : memref<32768xf32, #tpu.memory_space<vmem>>, vector<16xf32>,
        tpu.vector_store %arg4[%parallel_loop3A_135], %parallel_loop3A_134 {strides = array<i32>} : memref<32768xf32, #tpu.memory_space<vmem>>, vector<16xf32>,
        %parallel_loop3A_137 = arith.addf %parallel_loop3A_121, %parallel_loop3A_134 : vector<16xf32>
        scf.yield %parallel_loop3A_137 : vector<16xf32>
      } {sc.loop_unroll_factor = 8 : i64, sc.parallel_access}
      %swap3A_92 = arith.constant 0 : index
      %swap3A_93 = tpu.vector_load %arg6[%swap3A_92] {strides = array<i32>} : memref<16xf32, #tpu.memory_space<vmem>>, vector<16xf32>,
      tpu.vector_store %arg6[%swap3A_92], %parallel_loop3A_91 {strides = array<i32>} : memref<16xf32, #tpu.memory_space<vmem>>, vector<16xf32>,
      %xor3A_94 = arith.constant 8 : i32
      %xor3A_95 = vector.broadcast %xor3A_94 : i32 to vector<16xi32>
      %xor3A_96 = arith.xori %iota3A, %xor3A_95 : vector<16xi32>
      %gather3A_97 = tpu.vector_load_idx %arg6[%xor3A_96] : memref<16xf32, #tpu.memory_space<vmem>>[vector<16xi32>], vector<16xf32>,
      %add3A_98 = arith.addf %parallel_loop3A_91, %gather3A_97 : vector<16xf32>
      %swap3A_99 = arith.constant 0 : index
      %swap3A_100 = tpu.vector_load %arg6[%swap3A_99] {strides = array<i32>} : memref<16xf32, #tpu.memory_space<vmem>>, vector<16xf32>,
      tpu.vector_store %arg6[%swap3A_99], %add3A_98 {strides = array<i32>} : memref<16xf32, #tpu.memory_space<vmem>>, vector<16xf32>,
      %xor3A_101 = arith.constant 4 : i32
      %xor3A_102 = vector.broadcast %xor3A_101 : i32 to vector<16xi32>
      %xor3A_103 = arith.xori %iota3A, %xor3A_102 : vector<16xi32>
      %gather3A_104 = tpu.vector_load_idx %arg6[%xor3A_103] : memref<16xf32, #tpu.memory_space<vmem>>[vector<16xi32>], vector<16xf32>,
      %add3A_105 = arith.addf %add3A_98, %gather3A_104 : vector<16xf32>
      %swap3A_106 = arith.constant 0 : index
      %swap3A_107 = tpu.vector_load %arg6[%swap3A_106] {strides = array<i32>} : memref<16xf32, #tpu.memory_space<vmem>>, vector<16xf32>,
      tpu.vector_store %arg6[%swap3A_106], %add3A_105 {strides = array<i32>} : memref<16xf32, #tpu.memory_space<vmem>>, vector<16xf32>,
      %xor3A_108 = arith.constant 2 : i32
      %xor3A_109 = vector.broadcast %xor3A_108 : i32 to vector<16xi32>
      %xor3A_110 = arith.xori %iota3A, %xor3A_109 : vector<16xi32>
      %gather3A_111 = tpu.vector_load_idx %arg6[%xor3A_110] : memref<16xf32, #tpu.memory_space<vmem>>[vector<16xi32>], vector<16xf32>,
      %add3A_112 = arith.addf %add3A_105, %gather3A_111 : vector<16xf32>
      %swap3A_113 = arith.constant 0 : index
      %swap3A_114 = tpu.vector_load %arg6[%swap3A_113] {strides = array<i32>} : memref<16xf32, #tpu.memory_space<vmem>>, vector<16xf32>,
      tpu.vector_store %arg6[%swap3A_113], %add3A_112 {strides = array<i32>} : memref<16xf32, #tpu.memory_space<vmem>>, vector<16xf32>,
      %xor3A_115 = arith.constant 1 : i32
      %xor3A_116 = vector.broadcast %xor3A_115 : i32 to vector<16xi32>
      %xor3A_117 = arith.xori %iota3A, %xor3A_116 : vector<16xi32>
      %gather3A_118 = tpu.vector_load_idx %arg6[%xor3A_117] : memref<16xf32, #tpu.memory_space<vmem>>[vector<16xi32>], vector<16xf32>,
      %add3A_119 = arith.addf %add3A_112, %gather3A_118 : vector<16xf32>
      scf.yield %add3A_119 : vector<16xf32>
    }
    %scan3A_72 = arith.constant 8 : i32
    %div3A_73 = arith.constant 1.000000e+00 : f32
    %div3A_74 = vector.broadcast %div3A_73 : f32 to vector<16xf32>
    %div3A_75 = arith.divf %div3A_74, %scan3A_71 : vector<16xf32>
    %parallel_loop3A_76 = arith.constant 0 : i32
    %parallel_loop3A_77 = arith.constant 32768 : i32
    %parallel_loop3A_78 = arith.constant 16 : i32
    scf.for %parallel_loop3A_83 = %parallel_loop3A_76 to %parallel_loop3A_77 step %parallel_loop3A_78  : i32 {
      %parallel_loop3A_84 = arith.index_cast %parallel_loop3A_83 : i32 to index
      %parallel_loop3A_85 = tpu.vector_load %arg4[%parallel_loop3A_84] {strides = array<i32>} : memref<32768xf32, #tpu.memory_space<vmem>>, vector<16xf32>,
      %parallel_loop3A_86 = arith.mulf %parallel_loop3A_85, %div3A_75 : vector<16xf32>
      %parallel_loop3A_87 = arith.index_cast %parallel_loop3A_83 : i32 to index
      %parallel_loop3A_88 = tpu.vector_load %arg5[%parallel_loop3A_87] {strides = array<i32>} : memref<32768xf32, #tpu.memory_space<vmem>>, vector<16xf32>,
      tpu.vector_store %arg5[%parallel_loop3A_87], %parallel_loop3A_86 {add = true, strides = array<i32>} : memref<32768xf32, #tpu.memory_space<vmem>>, vector<16xf32>,
    } {sc.loop_unroll_factor = 8 : i64, sc.parallel_access}
    %mul3A_79 = arith.constant 32768 : i32
    %mul3A_80 = arith.muli %add3A_5, %mul3A_79 : i32
    %add3A_81 = arith.constant 0 : i32
    %add3A_82 = arith.addi %add3A_81, %mul3A_80 : i32
    "tpu.region"() ({
      %run_scoped3A = tpu.sem_alloc : memref<!tpu.dma_semaphore, #tpu.memory_space<semaphore_mem>>
      %dma_start3A = tpu.memref_slice %arg3[%add3A_82] : memref<1048576xf32, #tpu.memory_space<hbm>> -> memref<32768xf32, #tpu.memory_space<hbm>>
      %dma_start3A_83 = tpu.memref_slice %arg3[%add3A_82] : memref<1048576xf32, #tpu.memory_space<hbm>> -> memref<32768xf32, #tpu.memory_space<hbm>>
      tpu.enqueue_dma source(%arg5 : memref<32768xf32, #tpu.memory_space<vmem>>) target(%dma_start3A_83 : memref<32768xf32, #tpu.memory_space<hbm>>) target_semaphore(%run_scoped3A : memref<!tpu.dma_semaphore, #tpu.memory_space<semaphore_mem>>)
      %dma_wait3A = tpu.memref_slice %arg3[%add3A_82] : memref<1048576xf32, #tpu.memory_space<hbm>> -> memref<32768xf32, #tpu.memory_space<hbm>>
      %dma_wait3A_84 = tpu.memref_slice %arg3[%add3A_82] : memref<1048576xf32, #tpu.memory_space<hbm>> -> memref<32768xf32, #tpu.memory_space<hbm>>
      tpu.wait_dma2 semaphore(%run_scoped3A : memref<!tpu.dma_semaphore, #tpu.memory_space<semaphore_mem>>) src(%arg5 : memref<32768xf32, #tpu.memory_space<vmem>>) dst(%dma_wait3A_84 : memref<32768xf32, #tpu.memory_space<hbm>>)
      tpu.yield
    }) : () -> ()
    return
  }
}

#map = affine_map<(d0, d1) -> (0, 0)>
#map1 = affine_map<(d0, d1) -> (0)>
module attributes {stable_mosaic.version = 14 : i64} {
  func.func @run(%arg0: i32, %arg1: i32, %arg2: memref<32x32768xf32, #tpu.memory_space<hbm>>, %arg3: memref<1048576xf32, #tpu.memory_space<hbm>>, %arg4: memref<2097152xf32, #tpu.memory_space<hbm>>, %arg5: memref<32768xf32, #tpu.memory_space<vmem>>, %arg6: memref<32768xf32, #tpu.memory_space<vmem>>, %arg7: memref<16xf32, #tpu.memory_space<vmem>>, %arg8: memref<32768xf32, #tpu.memory_space<vmem>>, %arg9: memref<!tpu.dma_semaphore, #tpu.memory_space<semaphore_mem>>) attributes {dimension_semantics = [#tpu.dimension_semantics<core_parallel>, #tpu.dimension_semantics<subcore_parallel>], iteration_bounds = array<i64: 2, 16>, scalar_prefetch = 0 : i64, scratch_operands = 5 : i64, tpu.core_type = #tpu.core_type<sc_vector_subcore>, window_params = [{transform_indices = #map}, {transform_indices = #map1}, {transform_indices = #map1}]} {
    %mul3A = arith.constant 2 : i32
    %mul3A_0 = arith.muli %arg1, %mul3A : i32
    %add3A = arith.addi %mul3A_0, %arg0 : i32
    %broadcast_in_dim3A = arith.constant 0.000000e+00 : f32
    %broadcast_in_dim3A_1 = vector.broadcast %broadcast_in_dim3A : f32 to vector<16xf32>
    %iota3A = tpu.iota {dimensions = array<i32: 0>} : vector<16xi32>
    %mul3A_2 = arith.constant 1 : i32
    %mul3A_3 = arith.muli %add3A, %mul3A_2 : i32
    %add3A_4 = arith.constant 0 : i32
    %add3A_5 = arith.addi %mul3A_3, %add3A_4 : i32
    %mul3A_6 = arith.constant 32768 : i32
    %mul3A_7 = arith.muli %add3A_5, %mul3A_6 : i32
    %dma_start3A = tpu.memref_slice %arg3[%mul3A_7] : memref<1048576xf32, #tpu.memory_space<hbm>> -> memref<32768xf32, #tpu.memory_space<hbm>>
    %dma_start3A_8 = tpu.memref_slice %arg3[%mul3A_7] : memref<1048576xf32, #tpu.memory_space<hbm>> -> memref<32768xf32, #tpu.memory_space<hbm>>
    tpu.enqueue_dma source(%dma_start3A_8 : memref<32768xf32, #tpu.memory_space<hbm>>) target(%arg8 : memref<32768xf32, #tpu.memory_space<vmem>>) target_semaphore(%arg9 : memref<!tpu.dma_semaphore, #tpu.memory_space<semaphore_mem>>)
    "tpu.region"() ({
      %run_scoped3A = tpu.sem_alloc : memref<!tpu.dma_semaphore, #tpu.memory_space<semaphore_mem>>
      %dma_start3A_89 = arith.constant 0 : i32
      %dma_start3A_90 = tpu.memref_slice %arg2[%add3A_5, %dma_start3A_89] : memref<32x32768xf32, #tpu.memory_space<hbm>> -> memref<1x32768xf32, #tpu.memory_space<hbm>>
      %dma_start3A_91 = tpu.memref_squeeze %dma_start3A_90 : memref<1x32768xf32, #tpu.memory_space<hbm>> -> memref<32768xf32, #tpu.memory_space<hbm>>
      %dma_start3A_92 = arith.constant 0 : i32
      %dma_start3A_93 = tpu.memref_slice %arg2[%add3A_5, %dma_start3A_92] : memref<32x32768xf32, #tpu.memory_space<hbm>> -> memref<1x32768xf32, #tpu.memory_space<hbm>>
      %dma_start3A_94 = tpu.memref_squeeze %dma_start3A_93 : memref<1x32768xf32, #tpu.memory_space<hbm>> -> memref<32768xf32, #tpu.memory_space<hbm>>
      tpu.enqueue_dma source(%dma_start3A_94 : memref<32768xf32, #tpu.memory_space<hbm>>) target(%arg5 : memref<32768xf32, #tpu.memory_space<vmem>>) target_semaphore(%run_scoped3A : memref<!tpu.dma_semaphore, #tpu.memory_space<semaphore_mem>>)
      %dma_wait3A_95 = arith.constant 0 : i32
      %dma_wait3A_96 = tpu.memref_slice %arg2[%add3A_5, %dma_wait3A_95] : memref<32x32768xf32, #tpu.memory_space<hbm>> -> memref<1x32768xf32, #tpu.memory_space<hbm>>
      %dma_wait3A_97 = tpu.memref_squeeze %dma_wait3A_96 : memref<1x32768xf32, #tpu.memory_space<hbm>> -> memref<32768xf32, #tpu.memory_space<hbm>>
      %dma_wait3A_98 = arith.constant 0 : i32
      %dma_wait3A_99 = tpu.memref_slice %arg2[%add3A_5, %dma_wait3A_98] : memref<32x32768xf32, #tpu.memory_space<hbm>> -> memref<1x32768xf32, #tpu.memory_space<hbm>>
      %dma_wait3A_100 = tpu.memref_squeeze %dma_wait3A_99 : memref<1x32768xf32, #tpu.memory_space<hbm>> -> memref<32768xf32, #tpu.memory_space<hbm>>
      tpu.wait_dma2 semaphore(%run_scoped3A : memref<!tpu.dma_semaphore, #tpu.memory_space<semaphore_mem>>) src(%dma_wait3A_100 : memref<32768xf32, #tpu.memory_space<hbm>>) dst(%arg5 : memref<32768xf32, #tpu.memory_space<vmem>>)
      tpu.yield
    }) : () -> ()
    %parallel_loop3A = arith.constant 0 : i32
    %parallel_loop3A_9 = arith.constant 32768 : i32
    %parallel_loop3A_10 = arith.constant 16 : i32
    %parallel_loop3A_11 = scf.for %parallel_loop3A_89 = %parallel_loop3A to %parallel_loop3A_9 step %parallel_loop3A_10 iter_args(%parallel_loop3A_90 = %broadcast_in_dim3A_1) -> (vector<16xf32>)  : i32 {
      %parallel_loop3A_91 = arith.index_cast %parallel_loop3A_89 : i32 to index
      %parallel_loop3A_92 = tpu.vector_load %arg5[%parallel_loop3A_91] {strides = array<i32>} : memref<32768xf32, #tpu.memory_space<vmem>>, vector<16xf32>,
      %parallel_loop3A_93 = arith.addf %parallel_loop3A_90, %parallel_loop3A_92 : vector<16xf32>
      scf.yield %parallel_loop3A_93 : vector<16xf32>
    } {sc.loop_unroll_factor = 8 : i64, sc.parallel_access}
    %swap3A = arith.constant 0 : index
    %swap3A_12 = tpu.vector_load %arg7[%swap3A] {strides = array<i32>} : memref<16xf32, #tpu.memory_space<vmem>>, vector<16xf32>,
    tpu.vector_store %arg7[%swap3A], %parallel_loop3A_11 {strides = array<i32>} : memref<16xf32, #tpu.memory_space<vmem>>, vector<16xf32>,
    %xor3A = arith.constant 8 : i32
    %xor3A_13 = vector.broadcast %xor3A : i32 to vector<16xi32>
    %xor3A_14 = arith.xori %iota3A, %xor3A_13 : vector<16xi32>
    %gather3A = tpu.vector_load_idx %arg7[%xor3A_14] : memref<16xf32, #tpu.memory_space<vmem>>[vector<16xi32>], vector<16xf32>,
    %add3A_15 = arith.addf %parallel_loop3A_11, %gather3A : vector<16xf32>
    %swap3A_16 = arith.constant 0 : index
    %swap3A_17 = tpu.vector_load %arg7[%swap3A_16] {strides = array<i32>} : memref<16xf32, #tpu.memory_space<vmem>>, vector<16xf32>,
    tpu.vector_store %arg7[%swap3A_16], %add3A_15 {strides = array<i32>} : memref<16xf32, #tpu.memory_space<vmem>>, vector<16xf32>,
    %xor3A_18 = arith.constant 4 : i32
    %xor3A_19 = vector.broadcast %xor3A_18 : i32 to vector<16xi32>
    %xor3A_20 = arith.xori %iota3A, %xor3A_19 : vector<16xi32>
    %gather3A_21 = tpu.vector_load_idx %arg7[%xor3A_20] : memref<16xf32, #tpu.memory_space<vmem>>[vector<16xi32>], vector<16xf32>,
    %add3A_22 = arith.addf %add3A_15, %gather3A_21 : vector<16xf32>
    %swap3A_23 = arith.constant 0 : index
    %swap3A_24 = tpu.vector_load %arg7[%swap3A_23] {strides = array<i32>} : memref<16xf32, #tpu.memory_space<vmem>>, vector<16xf32>,
    tpu.vector_store %arg7[%swap3A_23], %add3A_22 {strides = array<i32>} : memref<16xf32, #tpu.memory_space<vmem>>, vector<16xf32>,
    %xor3A_25 = arith.constant 2 : i32
    %xor3A_26 = vector.broadcast %xor3A_25 : i32 to vector<16xi32>
    %xor3A_27 = arith.xori %iota3A, %xor3A_26 : vector<16xi32>
    %gather3A_28 = tpu.vector_load_idx %arg7[%xor3A_27] : memref<16xf32, #tpu.memory_space<vmem>>[vector<16xi32>], vector<16xf32>,
    %add3A_29 = arith.addf %add3A_22, %gather3A_28 : vector<16xf32>
    %swap3A_30 = arith.constant 0 : index
    %swap3A_31 = tpu.vector_load %arg7[%swap3A_30] {strides = array<i32>} : memref<16xf32, #tpu.memory_space<vmem>>, vector<16xf32>,
    tpu.vector_store %arg7[%swap3A_30], %add3A_29 {strides = array<i32>} : memref<16xf32, #tpu.memory_space<vmem>>, vector<16xf32>,
    %xor3A_32 = arith.constant 1 : i32
    %xor3A_33 = vector.broadcast %xor3A_32 : i32 to vector<16xi32>
    %xor3A_34 = arith.xori %iota3A, %xor3A_33 : vector<16xi32>
    %gather3A_35 = tpu.vector_load_idx %arg7[%xor3A_34] : memref<16xf32, #tpu.memory_space<vmem>>[vector<16xi32>], vector<16xf32>,
    %add3A_36 = arith.addf %add3A_29, %gather3A_35 : vector<16xf32>
    %div3A = arith.constant 1.000000e+00 : f32
    %div3A_37 = vector.broadcast %div3A : f32 to vector<16xf32>
    %div3A_38 = arith.divf %div3A_37, %add3A_36 : vector<16xf32>
    %parallel_loop3A_39 = arith.constant 0 : i32
    %parallel_loop3A_40 = arith.constant 32768 : i32
    %parallel_loop3A_41 = arith.constant 16 : i32
    %parallel_loop3A_42 = scf.for %parallel_loop3A_89 = %parallel_loop3A_39 to %parallel_loop3A_40 step %parallel_loop3A_41 iter_args(%parallel_loop3A_90 = %broadcast_in_dim3A_1) -> (vector<16xf32>)  : i32 {
      %parallel_loop3A_91 = arith.index_cast %parallel_loop3A_89 : i32 to index
      %parallel_loop3A_92 = tpu.vector_load %arg5[%parallel_loop3A_91] {strides = array<i32>} : memref<32768xf32, #tpu.memory_space<vmem>>, vector<16xf32>,
      %parallel_loop3A_93 = arith.mulf %parallel_loop3A_92, %div3A_38 : vector<16xf32>
      %parallel_loop3A_94 = arith.index_cast %parallel_loop3A_89 : i32 to index
      %parallel_loop3A_95 = tpu.vector_load %arg6[%parallel_loop3A_94] {strides = array<i32>} : memref<32768xf32, #tpu.memory_space<vmem>>, vector<16xf32>,
      tpu.vector_store %arg6[%parallel_loop3A_94], %parallel_loop3A_93 {strides = array<i32>} : memref<32768xf32, #tpu.memory_space<vmem>>, vector<16xf32>,
      %parallel_loop3A_96 = arith.constant 1.000000e+00 : f32
      %parallel_loop3A_97 = vector.broadcast %parallel_loop3A_96 : f32 to vector<16xf32>
      %parallel_loop3A_98 = arith.subf %parallel_loop3A_97, %parallel_loop3A_93 : vector<16xf32>
      %parallel_loop3A_99 = arith.constant 1.1920929E-7 : f32
      %parallel_loop3A_100 = vector.broadcast %parallel_loop3A_99 : f32 to vector<16xf32>
      %parallel_loop3A_101 = arith.maximumf %parallel_loop3A_98, %parallel_loop3A_100 : vector<16xf32>
      %parallel_loop3A_102 = arith.mulf %parallel_loop3A_101, %parallel_loop3A_101 : vector<16xf32>
      %parallel_loop3A_103 = arith.mulf %parallel_loop3A_93, %parallel_loop3A_102 : vector<16xf32>
      %parallel_loop3A_104 = arith.index_cast %parallel_loop3A_89 : i32 to index
      %parallel_loop3A_105 = tpu.vector_load %arg5[%parallel_loop3A_104] {strides = array<i32>} : memref<32768xf32, #tpu.memory_space<vmem>>, vector<16xf32>,
      tpu.vector_store %arg5[%parallel_loop3A_104], %parallel_loop3A_103 {strides = array<i32>} : memref<32768xf32, #tpu.memory_space<vmem>>, vector<16xf32>,
      %parallel_loop3A_106 = arith.addf %parallel_loop3A_90, %parallel_loop3A_103 : vector<16xf32>
      scf.yield %parallel_loop3A_106 : vector<16xf32>
    } {sc.loop_unroll_factor = 8 : i64, sc.parallel_access}
    %swap3A_43 = arith.constant 0 : index
    %swap3A_44 = tpu.vector_load %arg7[%swap3A_43] {strides = array<i32>} : memref<16xf32, #tpu.memory_space<vmem>>, vector<16xf32>,
    tpu.vector_store %arg7[%swap3A_43], %parallel_loop3A_42 {strides = array<i32>} : memref<16xf32, #tpu.memory_space<vmem>>, vector<16xf32>,
    %xor3A_45 = arith.constant 8 : i32
    %xor3A_46 = vector.broadcast %xor3A_45 : i32 to vector<16xi32>
    %xor3A_47 = arith.xori %iota3A, %xor3A_46 : vector<16xi32>
    %gather3A_48 = tpu.vector_load_idx %arg7[%xor3A_47] : memref<16xf32, #tpu.memory_space<vmem>>[vector<16xi32>], vector<16xf32>,
    %add3A_49 = arith.addf %parallel_loop3A_42, %gather3A_48 : vector<16xf32>
    %swap3A_50 = arith.constant 0 : index
    %swap3A_51 = tpu.vector_load %arg7[%swap3A_50] {strides = array<i32>} : memref<16xf32, #tpu.memory_space<vmem>>, vector<16xf32>,
    tpu.vector_store %arg7[%swap3A_50], %add3A_49 {strides = array<i32>} : memref<16xf32, #tpu.memory_space<vmem>>, vector<16xf32>,
    %xor3A_52 = arith.constant 4 : i32
    %xor3A_53 = vector.broadcast %xor3A_52 : i32 to vector<16xi32>
    %xor3A_54 = arith.xori %iota3A, %xor3A_53 : vector<16xi32>
    %gather3A_55 = tpu.vector_load_idx %arg7[%xor3A_54] : memref<16xf32, #tpu.memory_space<vmem>>[vector<16xi32>], vector<16xf32>,
    %add3A_56 = arith.addf %add3A_49, %gather3A_55 : vector<16xf32>
    %swap3A_57 = arith.constant 0 : index
    %swap3A_58 = tpu.vector_load %arg7[%swap3A_57] {strides = array<i32>} : memref<16xf32, #tpu.memory_space<vmem>>, vector<16xf32>,
    tpu.vector_store %arg7[%swap3A_57], %add3A_56 {strides = array<i32>} : memref<16xf32, #tpu.memory_space<vmem>>, vector<16xf32>,
    %xor3A_59 = arith.constant 2 : i32
    %xor3A_60 = vector.broadcast %xor3A_59 : i32 to vector<16xi32>
    %xor3A_61 = arith.xori %iota3A, %xor3A_60 : vector<16xi32>
    %gather3A_62 = tpu.vector_load_idx %arg7[%xor3A_61] : memref<16xf32, #tpu.memory_space<vmem>>[vector<16xi32>], vector<16xf32>,
    %add3A_63 = arith.addf %add3A_56, %gather3A_62 : vector<16xf32>
    %swap3A_64 = arith.constant 0 : index
    %swap3A_65 = tpu.vector_load %arg7[%swap3A_64] {strides = array<i32>} : memref<16xf32, #tpu.memory_space<vmem>>, vector<16xf32>,
    tpu.vector_store %arg7[%swap3A_64], %add3A_63 {strides = array<i32>} : memref<16xf32, #tpu.memory_space<vmem>>, vector<16xf32>,
    %xor3A_66 = arith.constant 1 : i32
    %xor3A_67 = vector.broadcast %xor3A_66 : i32 to vector<16xi32>
    %xor3A_68 = arith.xori %iota3A, %xor3A_67 : vector<16xi32>
    %gather3A_69 = tpu.vector_load_idx %arg7[%xor3A_68] : memref<16xf32, #tpu.memory_space<vmem>>[vector<16xi32>], vector<16xf32>,
    %add3A_70 = arith.addf %add3A_63, %gather3A_69 : vector<16xf32>
    %scan3A = arith.constant 0 : i32
    %scan3A_71 = arith.constant 8 : i32
    %scan3A_72 = arith.addi %scan3A, %scan3A_71 : i32
    %scan3A_73 = arith.constant 1 : i32
    %scan3A_74 = scf.for %scan3A_89 = %scan3A to %scan3A_72 step %scan3A_73 iter_args(%scan3A_90 = %add3A_70) -> (vector<16xf32>)  : i32 {
      %div3A_91 = arith.constant 1.000000e+00 : f32
      %div3A_92 = vector.broadcast %div3A_91 : f32 to vector<16xf32>
      %div3A_93 = arith.divf %div3A_92, %scan3A_90 : vector<16xf32>
      %parallel_loop3A_94 = arith.constant 0 : i32
      %parallel_loop3A_95 = arith.constant 32768 : i32
      %parallel_loop3A_96 = arith.constant 16 : i32
      %parallel_loop3A_97 = scf.for %parallel_loop3A_126 = %parallel_loop3A_94 to %parallel_loop3A_95 step %parallel_loop3A_96 iter_args(%parallel_loop3A_127 = %broadcast_in_dim3A_1) -> (vector<16xf32>)  : i32 {
        %parallel_loop3A_128 = arith.index_cast %parallel_loop3A_126 : i32 to index
        %parallel_loop3A_129 = tpu.vector_load %arg5[%parallel_loop3A_128] {strides = array<i32>} : memref<32768xf32, #tpu.memory_space<vmem>>, vector<16xf32>,
        %parallel_loop3A_130 = arith.mulf %parallel_loop3A_129, %div3A_93 : vector<16xf32>
        %parallel_loop3A_131 = arith.index_cast %parallel_loop3A_126 : i32 to index
        %parallel_loop3A_132 = tpu.vector_load %arg6[%parallel_loop3A_131] {strides = array<i32>} : memref<32768xf32, #tpu.memory_space<vmem>>, vector<16xf32>,
        tpu.vector_store %arg6[%parallel_loop3A_131], %parallel_loop3A_130 {add = true, strides = array<i32>} : memref<32768xf32, #tpu.memory_space<vmem>>, vector<16xf32>,
        %parallel_loop3A_133 = arith.constant 1.000000e+00 : f32
        %parallel_loop3A_134 = vector.broadcast %parallel_loop3A_133 : f32 to vector<16xf32>
        %parallel_loop3A_135 = arith.subf %parallel_loop3A_134, %parallel_loop3A_130 : vector<16xf32>
        %parallel_loop3A_136 = arith.constant 1.1920929E-7 : f32
        %parallel_loop3A_137 = vector.broadcast %parallel_loop3A_136 : f32 to vector<16xf32>
        %parallel_loop3A_138 = arith.maximumf %parallel_loop3A_135, %parallel_loop3A_137 : vector<16xf32>
        %parallel_loop3A_139 = arith.mulf %parallel_loop3A_138, %parallel_loop3A_138 : vector<16xf32>
        %parallel_loop3A_140 = arith.mulf %parallel_loop3A_130, %parallel_loop3A_139 : vector<16xf32>
        %parallel_loop3A_141 = arith.index_cast %parallel_loop3A_126 : i32 to index
        %parallel_loop3A_142 = tpu.vector_load %arg5[%parallel_loop3A_141] {strides = array<i32>} : memref<32768xf32, #tpu.memory_space<vmem>>, vector<16xf32>,
        tpu.vector_store %arg5[%parallel_loop3A_141], %parallel_loop3A_140 {strides = array<i32>} : memref<32768xf32, #tpu.memory_space<vmem>>, vector<16xf32>,
        %parallel_loop3A_143 = arith.addf %parallel_loop3A_127, %parallel_loop3A_140 : vector<16xf32>
        scf.yield %parallel_loop3A_143 : vector<16xf32>
      } {sc.loop_unroll_factor = 8 : i64, sc.parallel_access}
      %swap3A_98 = arith.constant 0 : index
      %swap3A_99 = tpu.vector_load %arg7[%swap3A_98] {strides = array<i32>} : memref<16xf32, #tpu.memory_space<vmem>>, vector<16xf32>,
      tpu.vector_store %arg7[%swap3A_98], %parallel_loop3A_97 {strides = array<i32>} : memref<16xf32, #tpu.memory_space<vmem>>, vector<16xf32>,
      %xor3A_100 = arith.constant 8 : i32
      %xor3A_101 = vector.broadcast %xor3A_100 : i32 to vector<16xi32>
      %xor3A_102 = arith.xori %iota3A, %xor3A_101 : vector<16xi32>
      %gather3A_103 = tpu.vector_load_idx %arg7[%xor3A_102] : memref<16xf32, #tpu.memory_space<vmem>>[vector<16xi32>], vector<16xf32>,
      %add3A_104 = arith.addf %parallel_loop3A_97, %gather3A_103 : vector<16xf32>
      %swap3A_105 = arith.constant 0 : index
      %swap3A_106 = tpu.vector_load %arg7[%swap3A_105] {strides = array<i32>} : memref<16xf32, #tpu.memory_space<vmem>>, vector<16xf32>,
      tpu.vector_store %arg7[%swap3A_105], %add3A_104 {strides = array<i32>} : memref<16xf32, #tpu.memory_space<vmem>>, vector<16xf32>,
      %xor3A_107 = arith.constant 4 : i32
      %xor3A_108 = vector.broadcast %xor3A_107 : i32 to vector<16xi32>
      %xor3A_109 = arith.xori %iota3A, %xor3A_108 : vector<16xi32>
      %gather3A_110 = tpu.vector_load_idx %arg7[%xor3A_109] : memref<16xf32, #tpu.memory_space<vmem>>[vector<16xi32>], vector<16xf32>,
      %add3A_111 = arith.addf %add3A_104, %gather3A_110 : vector<16xf32>
      %swap3A_112 = arith.constant 0 : index
      %swap3A_113 = tpu.vector_load %arg7[%swap3A_112] {strides = array<i32>} : memref<16xf32, #tpu.memory_space<vmem>>, vector<16xf32>,
      tpu.vector_store %arg7[%swap3A_112], %add3A_111 {strides = array<i32>} : memref<16xf32, #tpu.memory_space<vmem>>, vector<16xf32>,
      %xor3A_114 = arith.constant 2 : i32
      %xor3A_115 = vector.broadcast %xor3A_114 : i32 to vector<16xi32>
      %xor3A_116 = arith.xori %iota3A, %xor3A_115 : vector<16xi32>
      %gather3A_117 = tpu.vector_load_idx %arg7[%xor3A_116] : memref<16xf32, #tpu.memory_space<vmem>>[vector<16xi32>], vector<16xf32>,
      %add3A_118 = arith.addf %add3A_111, %gather3A_117 : vector<16xf32>
      %swap3A_119 = arith.constant 0 : index
      %swap3A_120 = tpu.vector_load %arg7[%swap3A_119] {strides = array<i32>} : memref<16xf32, #tpu.memory_space<vmem>>, vector<16xf32>,
      tpu.vector_store %arg7[%swap3A_119], %add3A_118 {strides = array<i32>} : memref<16xf32, #tpu.memory_space<vmem>>, vector<16xf32>,
      %xor3A_121 = arith.constant 1 : i32
      %xor3A_122 = vector.broadcast %xor3A_121 : i32 to vector<16xi32>
      %xor3A_123 = arith.xori %iota3A, %xor3A_122 : vector<16xi32>
      %gather3A_124 = tpu.vector_load_idx %arg7[%xor3A_123] : memref<16xf32, #tpu.memory_space<vmem>>[vector<16xi32>], vector<16xf32>,
      %add3A_125 = arith.addf %add3A_118, %gather3A_124 : vector<16xf32>
      scf.yield %add3A_125 : vector<16xf32>
    }
    %scan3A_75 = arith.constant 8 : i32
    %div3A_76 = arith.constant 1.000000e+00 : f32
    %div3A_77 = vector.broadcast %div3A_76 : f32 to vector<16xf32>
    %div3A_78 = arith.divf %div3A_77, %scan3A_74 : vector<16xf32>
    %parallel_loop3A_79 = arith.constant 0 : i32
    %parallel_loop3A_80 = arith.constant 32768 : i32
    %parallel_loop3A_81 = arith.constant 16 : i32
    scf.for %parallel_loop3A_89 = %parallel_loop3A_79 to %parallel_loop3A_80 step %parallel_loop3A_81  : i32 {
      %parallel_loop3A_90 = arith.index_cast %parallel_loop3A_89 : i32 to index
      %parallel_loop3A_91 = tpu.vector_load %arg5[%parallel_loop3A_90] {strides = array<i32>} : memref<32768xf32, #tpu.memory_space<vmem>>, vector<16xf32>,
      %parallel_loop3A_92 = arith.mulf %parallel_loop3A_91, %div3A_78 : vector<16xf32>
      %parallel_loop3A_93 = arith.index_cast %parallel_loop3A_89 : i32 to index
      %parallel_loop3A_94 = tpu.vector_load %arg6[%parallel_loop3A_93] {strides = array<i32>} : memref<32768xf32, #tpu.memory_space<vmem>>, vector<16xf32>,
      tpu.vector_store %arg6[%parallel_loop3A_93], %parallel_loop3A_92 {add = true, strides = array<i32>} : memref<32768xf32, #tpu.memory_space<vmem>>, vector<16xf32>,
    } {sc.loop_unroll_factor = 8 : i64, sc.parallel_access}
    %mul3A_82 = arith.constant 32768 : i32
    %mul3A_83 = arith.muli %add3A_5, %mul3A_82 : i32
    %add3A_84 = arith.constant 1048576 : i32
    %add3A_85 = arith.addi %add3A_84, %mul3A_83 : i32
    "tpu.region"() ({
      %run_scoped3A = tpu.sem_alloc : memref<!tpu.dma_semaphore, #tpu.memory_space<semaphore_mem>>
      %dma_start3A_89 = tpu.memref_slice %arg4[%add3A_85] : memref<2097152xf32, #tpu.memory_space<hbm>> -> memref<32768xf32, #tpu.memory_space<hbm>>
      %dma_start3A_90 = tpu.memref_slice %arg4[%add3A_85] : memref<2097152xf32, #tpu.memory_space<hbm>> -> memref<32768xf32, #tpu.memory_space<hbm>>
      tpu.enqueue_dma source(%arg6 : memref<32768xf32, #tpu.memory_space<vmem>>) target(%dma_start3A_90 : memref<32768xf32, #tpu.memory_space<hbm>>) target_semaphore(%run_scoped3A : memref<!tpu.dma_semaphore, #tpu.memory_space<semaphore_mem>>)
      %dma_wait3A_91 = tpu.memref_slice %arg4[%add3A_85] : memref<2097152xf32, #tpu.memory_space<hbm>> -> memref<32768xf32, #tpu.memory_space<hbm>>
      %dma_wait3A_92 = tpu.memref_slice %arg4[%add3A_85] : memref<2097152xf32, #tpu.memory_space<hbm>> -> memref<32768xf32, #tpu.memory_space<hbm>>
      tpu.wait_dma2 semaphore(%run_scoped3A : memref<!tpu.dma_semaphore, #tpu.memory_space<semaphore_mem>>) src(%arg6 : memref<32768xf32, #tpu.memory_space<vmem>>) dst(%dma_wait3A_92 : memref<32768xf32, #tpu.memory_space<hbm>>)
      tpu.yield
    }) : () -> ()
    %dma_wait3A = tpu.memref_slice %arg3[%mul3A_7] : memref<1048576xf32, #tpu.memory_space<hbm>> -> memref<32768xf32, #tpu.memory_space<hbm>>
    %dma_wait3A_86 = tpu.memref_slice %arg3[%mul3A_7] : memref<1048576xf32, #tpu.memory_space<hbm>> -> memref<32768xf32, #tpu.memory_space<hbm>>
    tpu.wait_dma2 semaphore(%arg9 : memref<!tpu.dma_semaphore, #tpu.memory_space<semaphore_mem>>) src(%dma_wait3A_86 : memref<32768xf32, #tpu.memory_space<hbm>>) dst(%arg8 : memref<32768xf32, #tpu.memory_space<vmem>>)
    %mul3A_87 = arith.constant 32768 : i32
    %mul3A_88 = arith.muli %add3A_5, %mul3A_87 : i32
    "tpu.region"() ({
      %run_scoped3A = tpu.sem_alloc : memref<!tpu.dma_semaphore, #tpu.memory_space<semaphore_mem>>
      %dma_start3A_89 = tpu.memref_slice %arg4[%mul3A_88] : memref<2097152xf32, #tpu.memory_space<hbm>> -> memref<32768xf32, #tpu.memory_space<hbm>>
      %dma_start3A_90 = tpu.memref_slice %arg4[%mul3A_88] : memref<2097152xf32, #tpu.memory_space<hbm>> -> memref<32768xf32, #tpu.memory_space<hbm>>
      tpu.enqueue_dma source(%arg8 : memref<32768xf32, #tpu.memory_space<vmem>>) target(%dma_start3A_90 : memref<32768xf32, #tpu.memory_space<hbm>>) target_semaphore(%run_scoped3A : memref<!tpu.dma_semaphore, #tpu.memory_space<semaphore_mem>>)
      %dma_wait3A_91 = tpu.memref_slice %arg4[%mul3A_88] : memref<2097152xf32, #tpu.memory_space<hbm>> -> memref<32768xf32, #tpu.memory_space<hbm>>
      %dma_wait3A_92 = tpu.memref_slice %arg4[%mul3A_88] : memref<2097152xf32, #tpu.memory_space<hbm>> -> memref<32768xf32, #tpu.memory_space<hbm>>
      tpu.wait_dma2 semaphore(%run_scoped3A : memref<!tpu.dma_semaphore, #tpu.memory_space<semaphore_mem>>) src(%arg8 : memref<32768xf32, #tpu.memory_space<vmem>>) dst(%dma_wait3A_92 : memref<32768xf32, #tpu.memory_space<hbm>>)
      tpu.yield
    }) : () -> ()
    return
  }
}

</mosaic_0001>

<sc_bundles>
// kernel: kernel.4.cloned.1.call-start
scs
__scs_entry_jumppad:
0x0: {  	(pc) =	sbr.rel $0x88, $3  }
0x1: {  	(tag) =	ssettag $0x0;
	lr =	simm.s32 $0x1  }
0x2: {  	[smem:$0x3FA0] =	sst lr;
	_ =	strace $0xD0000000  }
0x3: {  	_ = 	snop  }
0x4: {  	_ = 	snop  }
0x5: {  	_ = 	snop  }
0x6: {  	_ = 	snop  }
0x7: {  	_ = 	snop  }
__scs_overlays_trampoline_lowered:
0x8: {  	[smem:$0x3FAF] =	sst s0  }
0x9: {  	[smem:$0x3FB0] =	sst s1  }
0xa: {  	[smem:$0x3FB1] =	sst s2  }
0xb: {  	[smem:$0x3FB2] =	sst s3  }
0xc: {  	[smem:$0x3FB3] =	sst s4  }
0xd: {  	[smem:$0x3FB4] =	sst s5  }
0xe: {  	[smem:$0x3FB5] =	sst s6  }
0xf: {  	[smem:$0x3FB6] =	sst s7  }
0x10: {  	[smem:$0x3FB7] =	sst s8  }
0x11: {  	[smem:$0x3FB8] =	sst s9;
	s0 =	simm.s32 @!p0 $0x0  }
0x12: {  	s1 =	sld [smem:$0x3F9E];
	s0 =	simm.s32 @p0 $0x1  }
0x13: {  	[smem:$0x3FB9] =	sst s0;
	s0 =	simm.s32 @!p1 $0x0  }
0x14: {  	s2 =	sld [smem:$0x3F9D];
	s0 =	simm.s32 @p1 $0x1  }
0x15: {  	[smem:$0x3FBA] =	sst s0;
	s0 =	simm.s32 @!p2 $0x0  }
0x16: {  	s3 =	sld [smem:$0x3FDB];
	s0 =	simm.s32 @p2 $0x1  }
0x17: {  	s4 =	simm.s32 $0x1BF5;
	[smem:$0x3FBC] =	sst s0  }
0x18: {  	s0 =	sld [smem:$0x3F9F];
	_ =	swait.ge [sflag:s4], $0x0  }
0x19: {  	s7 =	sld [smem:$0x3FA0]  }
0x1a: {  	s8 =	sadd.s32 $0xFFFFE003, lr  }
0x1b: {  	s9 =	sadd.s32 $0xFFFFFEF7, lr;
	s5 =	simm.s32 $0xFFFFFFFF;
	p2 =	slt.u32 s8, $0xFFFFF086  }
0x1c: {  	p1 =	slt.u32 s9, $0xF7A;
	s5 =	simm.s32 @!p2 $0x0  }
0x1d: {  	s5 =	simm.s32 @p1 $0x1;
	p0 =	seq.s32 s7, s2  }
0x1e: {  	s7 =	smul.u32 @!p0 $0xF7A, s2;
	p2 =	seq.s32 @!p0 s5, $0x0  }
0x1f: {  	s9 =	smul.u32 $0xF7A, s1;
	s8 =	simm.s32 @!p0 $0x1BF5;
	p2 =	por !p2, p0  }
0x20: {  	[sflag:s8] =	ssyncset.s32 @!p0 $0xFFFFF086;
	s6 =	sadd.s32 @!p0 s3, s7;
	s7 =	simm.s32 @!p0 $0x108  }
0x21: {  	s3 =	sadd.s32 s3, s9;
	s6 =	sadd.s32 @!p0 $0x88, s6;
	s7 =	simm.s32 @p2 $0x1082  }
0x22: {  	[simem:s7], [sflag:s8] =	dma.local @!p0 [hbm:s6], $0xF7A  }
0x23: {  	s9 =	sor.u32 $0xD0000000, s2;
	s6 =	simm.s32 $0x108;
	_ =	swait.ge @!p0 [sflag:s8], $0x0  }
0x24: {  	s3 =	sadd.s32 $0x88, s3;
	s6 =	simm.s32 @!p1 $0x1082;
	[sflag:s4] =	ssyncset.s32 $0xFFFFF086  }
0x25: {  	[simem:s6], [sflag:s4] =	dma.local [hbm:s3], $0xF7A  }
0x26: {  	[smem:$0x3FA0] =	sst s1;
	(tag) =	ssettag s2;
	_ =	strace s9  }
0x27: {  	s1 =	sld [smem:$0x3FB0]  }
0x28: {  	s2 =	sld [smem:$0x3FB1]  }
0x29: {  	s4 =	sld [smem:$0x3FB3]  }
0x2a: {  	p0 =	seq.s32 s5, $0x0;
	s5 =	sld [smem:$0x3FB4]  }
0x2b: {  	s6 =	sld [smem:$0x3FB5]  }
0x2c: {  	s7 =	sld [smem:$0x3FB6]  }
0x2d: {  	s3 =	simm.s32 $0x108;
	s8 =	sld [smem:$0x3FB7]  }
0x2e: {  	s3 =	simm.s32 @!p0 $0x1082;
	s9 =	sld [smem:$0x3FB8]  }
0x2f: {  	lr =	sadd.s32 s0, s3;
	s0 =	sld [smem:$0x3FAF]  }
0x30: {  	s3 =	sld [smem:$0x3FB2]  }
0x31: {  	[smem:$0x3FBB] =	sst s10  }
0x32: {  	s10 =	sld [smem:$0x3FB9];
	_ =	sdelay $0x3  }
0x33: {  	p0 =	seq.s32 s10, $0x1;
	s10 =	sld [smem:$0x3FBB];
	_ =	sdelay $0x3  }
0x34: {  	[smem:$0x3FBB] =	sst s10  }
0x35: {  	s10 =	sld [smem:$0x3FBA];
	_ =	sdelay $0x3  }
0x36: {  	p1 =	seq.s32 s10, $0x1;
	s10 =	sld [smem:$0x3FBB];
	_ =	sdelay $0x3  }
0x37: {  	[smem:$0x3FBB] =	sst s10  }
0x38: {  	s10 =	sld [smem:$0x3FBC]  }
0x39: {  	_ = 	snop;
	(pc) =	sbr.ind lr, $3  }
0x3a: {  	_ = 	snop  }
0x3b: {  	_ = 	snop  }
0x3c: {  	p2 =	seq.s32 s10, $0x1;
	s10 =	sld [smem:$0x3FBB]  }
0x3d: {  	_ =	shalt  }
0x3e: {  	_ =	shalt  }
0x3f: {  	_ =	shalt  }
0x40: {  	_ =	shalt  }
0x41: {  	_ =	shalt  }
0x42: {  	_ =	shalt  }
0x43: {  	_ =	shalt  }
0x44: {  	_ =	shalt  }
0x45: {  	_ =	shalt  }
0x46: {  	_ =	shalt  }
0x47: {  	_ =	shalt  }
0x48: {  	_ =	shalt  }
0x49: {  	_ =	shalt  }
0x4a: {  	_ =	shalt  }
0x4b: {  	_ =	shalt  }
0x4c: {  	_ =	shalt  }
0x4d: {  	_ =	shalt  }
0x4e: {  	_ =	shalt  }
0x4f: {  	_ =	shalt  }
0x50: {  	_ =	shalt  }
0x51: {  	_ =	shalt  }
0x52: {  	_ =	shalt  }
0x53: {  	_ =	shalt  }
0x54: {  	_ =	shalt  }
0x55: {  	_ =	shalt  }
0x56: {  	_ =	shalt  }
0x57: {  	_ =	shalt  }
0x58: {  	_ =	shalt  }
0x59: {  	_ =	shalt  }
0x5a: {  	_ =	shalt  }
0x5b: {  	_ =	shalt  }
0x5c: {  	_ =	shalt  }
0x5d: {  	_ =	shalt  }
0x5e: {  	_ =	shalt  }
0x5f: {  	_ =	shalt  }
0x60: {  	_ =	shalt  }
0x61: {  	_ =	shalt  }
0x62: {  	_ =	shalt  }
0x63: {  	_ =	shalt  }
0x64: {  	_ =	shalt  }
0x65: {  	_ =	shalt  }
0x66: {  	_ =	shalt  }
0x67: {  	_ =	shalt  }
0x68: {  	_ =	shalt  }
0x69: {  	_ =	shalt  }
0x6a: {  	_ =	shalt  }
0x6b: {  	_ =	shalt  }
0x6c: {  	_ =	shalt  }
0x6d: {  	_ =	shalt  }
0x6e: {  	_ =	shalt  }
0x6f: {  	_ =	shalt  }
0x70: {  	_ =	shalt  }
0x71: {  	_ =	shalt  }
0x72: {  	_ =	shalt  }
0x73: {  	_ =	shalt  }
0x74: {  	_ =	shalt  }
0x75: {  	_ =	shalt  }
0x76: {  	_ =	shalt  }
0x77: {  	_ =	shalt  }
0x78: {  	_ =	shalt  }
0x79: {  	_ =	shalt  }
0x7a: {  	_ =	shalt  }
0x7b: {  	_ =	shalt  }
0x7c: {  	_ =	shalt  }
0x7d: {  	_ =	shalt  }
0x7e: {  	_ =	shalt  }
0x7f: {  	_ =	shalt  }
0x80: {  	_ =	shalt  }
0x81: {  	_ =	shalt  }
0x82: {  	_ =	shalt  }
0x83: {  	_ =	shalt  }
0x84: {  	_ =	shalt  }
0x85: {  	_ =	shalt  }
0x86: {  	_ =	shalt  }
0x87: {  	_ =	shalt  }
.Lfunc_end0:
.L_simem_size_0:
called_computation_lowered:
.L_overlay_start_0:
0x88: {  	s2 =	sld [smem:$0x3FD9]  }
0x89: {  	s3 =	sld [smem:$0x3FFE];
	_ =	sdelay $0x1  }
0x8a: {  	s1 =	srdreg.scid  }
0x8b: {  	s0 =	sand.u32 $0x1, s1  }
0x8c: {  	s17 =	sshll.u32 s0, $0xA;
	s2 =	sadd.s32 s3, s2  }
0x8d: {  	s2 =	sadd.s32 s2, s17  }
0x8e: {  	[smem:$0x3FC7] =	sst s2  }
0x8f: {  	_ = 	snop  }
0x90: {  	s2 =	sld [smem:$0x3FD0];
	(tm) =	ssettm $0x1  }
0x91: {  	s18 =	sld [smem:$0x3FFB];
	_ =	sdelay $0x3  }
0x92: {  	_ =	strace s18  }
0x93: {  	s3 =	sld [smem:$0x3FFC];
	_ =	sdelay $0x3  }
0x94: {  	_ =	strace s3  }
0x95: {  	s3 =	sld [smem:$0x3FFD];
	_ =	sdelay $0x3  }
0x96: {  	_ =	strace s3  }
0x97: {  	_ =	strace $0x8FFFFFFF  }
0x98: {  	s19 =	sld [smem:$0x3FDB];
	_ =	sdelay $0x1  }
0x99: {  	s4 =	simm.s32 $_scs_section_size  }
0x9a: {  	s5 =	simm.s32 $_size__tile_overlayer_lowered;
	s6 =	simm.s32 $_tile_overlayer_lowered  }
0x9b: {  	s22 =	simm.s32 $0x1BFF;
	s21 =	sshll.u32 s6, $0x1;
	s3 =	sadd.s32 s4, s19  }
0x9c: {  	s7 =	simm.s32 $0x0;
	s20 =	sshll.u32 s5, $0x1;
	s5 =	sadd.s32 s21, s3  }
0x9d: {  	[timem:s7], [sflag:s22] =	dma.local [hbm:s5], s20  }
0x9e: {  	_ =	swait.ge [sflag:s22], s20  }
0x9f: {  	s4 =	ssub.s32 $0x0, s20;
	[sflag:s22] =	ssyncset.done $0x0  }
0xa0: {  	[sflag:s22] =	ssyncadd.s32 s4;
	_ =	sdelay $0x1  }
0xa1: {  	s23 =	simm.s32 $0x1B8B  }
0xa2: {  	_ =	swait.ge [sflag:s23], $0x1  }
0xa3: {  	[sflag:s23] =	ssyncset.done $0x0  }
0xa4: {  	s25 =	simm.s32 $0x1B8E;
	s24 =	sld [smem:$0x3FFE];
	[sflag:s23] =	ssyncadd.s32 $0xFFFFFFFF  }
0xa5: {  	s26 =	simm.s32 $execute0_lowered;
	[smem:$0x3FD2] =	sst s25  }
0xa6: {  	s5 =	sshll.u32 s26, $0x1;
	_ =	strace $0x80000046;
	[dreg:$0x1] =	wrdreg $0xFFFFFFFF  }
0xa7: {  	s28 =	simm.s32 $_size_execute0_lowered;
	s3 =	sadd.s32 s3, s5;
	[dreg:$0x0] =	wrdreg $0x0  }
0xa8: {  	s5 =	sshll.u32 s28, $0x1;
	[dreg:$0x2] =	wrdreg s3  }
0xa9: {  	[dreg:$0x3] =	wrdreg s5  }
0xaa: {  	[dreg:$0x4] =	wrdreg $0xC0  }
0xab: {  	_ =	task [dreg:s7], $0x5FFFF  }
0xac: {  	[dreg:$0x1] =	wrdreg $0xFFFFFFFF  }
0xad: {  	[dreg:$0x0] =	wrdreg $0x60  }
0xae: {  	[dreg:$0x2] =	wrdreg s2  }
0xaf: {  	[dreg:$0x3] =	wrdreg s24  }
0xb0: {  	[dreg:$0x4] =	wrdreg $0x9  }
0xb1: {  	_ =	task.clear_ibuf [dreg:s7], $0x5FFFF;
	_ =	strace $0x90000046  }
0xb2: {  	s29 =	simm.s32 $0x9;
	_ =	strace $0x80000048  }
0xb3: {  	_ =	swait.ge [sflag:s29], $0x1  }
0xb4: {  	[sflag:s29] =	ssyncadd.s32 $0xFFFFFFFF  }
0xb5: {  	_ =	strace $0x90000048  }
0xb6: {  	_ =	sfence  }
0xb7: {  	s30 =	sld [smem:$0x0];
	_ =	sdelay $0x2  }
0xb8: {  	s31 =	sshll.u32 s1, $0xD;
	s1 =	sshrl.u32 s1, $0x2  }
0xb9: {  	s3 =	sand.u32 $0x4000, s31;
	s1 =	sadd.s32 s1, s30  }
0xba: {  	s0 =	sor.u32 s3, s0;
	s1 =	sshll.u32 s1, $0x11  }
0xbb: {  	s0 =	sor.u32 s1, s0  }
0xbc: {  	s0 =	sadd.s32 $0x8F2B, s0  }
0xbd: {  	[sflag:s0] =	ssyncadd.remote.s32 $0x1  }
0xbe: {  	_ =	sfence.sel $0xFFFF  }
0xbf: {  	[dreg:$0x0] =	wrdreg $0xFFFFFFFF;
	(pc) =	sbr.abs _section_cstart, $3  }
0xc0: {  	[dreg:$0x1] =	wrdreg $0xFFFFFFFF  }
0xc1: {  	_ =	task.clear_ibuf [dreg:s7], $0x2FFFF;
	_ =	strace $0x9FFFFFFF  }
0xc2: {  	(tm) =	ssettm $0x7FFFFFFF  }
0xc3: {  	_ =	shalt  }
tec
execute0_lowered:
.L_overlay_start_1:
0x0: {  	(tag) =	ssettag $0x1  }
0x1: {  	v0 =	vimm.s32 $0xFEDCBA98;
	v1 =	vimm.s32 $0x76543210  }
0x2: {  	s3 =	rddreg [dreg:$0x0];
	v2 =	vimm.s32 $0xBA98FEDC;
	v3 =	vimm.s32 $0x32107654;
	v4 =	vimm.s32 $0xDCFE98BA  }
0x3: {  	s4 =	rddreg [dreg:$0x1];
	s1 =	simm.s32 $0x0;
	v5 =	vimm.s32 $0x54761032;
	v6 =	vimm.s32 $0xEFCDAB89;
	v7 =	vimm.s32 $0x67452301  }
0x4: {  	s2 =	srdreg.scid;
	s0 =	stileid.u32;
	s9 =	simm.s32 $0x10000;
	v0 =	vunpack.c.l.s4.s8 v0;
	v1 =	vunpack.c.l.s4.s8 v1;
	v2 =	vunpack.c.l.s4.s8 v2  }
0x5: {  	s10 =	simm.s32 $0x8000;
	s11 =	simm.s32 $0x0;
	[smem:$0x7FF] =	sst s1;
	v3 =	vunpack.c.l.s4.s8 v3;
	v4 =	vunpack.c.l.s4.s8 v4;
	v5 =	vunpack.c.l.s4.s8 v5  }
0x6: {  	s5 =	sand.u32 $0x1, s2;
	s6 =	sshll.u32 s0, $0x1;
	s2 =	rddreg [dreg:$0x2];
	v6 =	vunpack.c.l.s4.s8 v6;
	v7 =	vunpack.c.l.s4.s8 v7;
	v0 =	vunpack.c.0.s8.s32 v0  }
0x7: {  	s31 =	sshll.u32 s0, $0xD;
	s6 =	sor.u32 s5, s6;
	s5 =	ssub.s32 $0x2, s5;
	v2 =	vunpack.c.0.s8.s32 v2;
	v3 =	vunpack.c.0.s8.s32 v3;
	v4 =	vunpack.c.0.s8.s32 v4  }
0x8: {  	_ =	strace $0x80000047;
	s7 =	sshll.u32 s6, $0xC;
	s8 =	sshrl.u32 s5, $0x1;
	v5 =	vunpack.c.0.s8.s32 v5;
	v6 =	vunpack.c.0.s8.s32 v6;
	v7 =	vunpack.c.0.s8.s32 v7  }
0x9: {  	s6 =	sshll.u32 s6, $0x4;
	v1 =	vunpack.c.0.s8.s32 v1;
	s4 =	sadd.s32 s7, s4;
	s7 =	sand.u32 $0x18000, s31;
	v2 =	vcombine.low v3, v2  }
0xa: {  	s5 =	ssub.s32 s5, s8;
	s6 =	sand.u32 $0x70, s6;
	s8 =	simm.s32 $0x1;
	v3 =	vcombine.low v5, v4;
	v4 =	vcombine.low v7, v6;
	v0 =	vand.u32 $0xF, v0  }
0xb: {  	s3 =	sadd.s32 s3, s7;
	s4 =	sadd.s32 $0x1400, s4;
	s5 =	smax.u32 s5, $0x1;
	v0 =	vcombine.low v0, v1  }
0xc: {  	s7 =	simm.s32 $0x400;
	s3 =	sadd.s32 s6, s3;
	s6 =	simm.s32 $0x80;
	v1 =	vand.u32 $0xF, v2;
	v2 =	vand.u32 $0xF, v3;
	v3 =	vand.u32 $0xF, v4  }
.LBB2_1:
0xd: {  	[tilespmem:s1], [sflag:$0x1] =	stream.strided.gather [hbm4b:s3+s6], $0x8000, s7, s6, $0x38;
	[tilespmem:$0x10080] =	vst v63  }
0xe: {  	_ =	swait.ge [sflag:s8], $0x8000  }
0xf: {  	[sflag:s8] =	ssyncset.done $0x0  }
0x10: {  	s13 =	simm.s32 $0x40;
	[sflag:s8] =	ssyncadd.s32 $0xFFFF8000  }
0x11: {  	v4 =	vld [tilespmem:s13+$0xFFFFFFC0];
	_ =	sdelay $0x1  }
0x12: {  	v5 =	vld [tilespmem:s13+$0xFFFFFFD0];
	_ =	sdelay $0x1  }
0x13: {  	v6 =	vimm.f32 $0.0e+00;
	v7 =	vld [tilespmem:s13+$0xFFFFFFE0]  }
0x14: {  	v4 =	vadd.f32 v4, v6  }
0x15: {  	v6 =	vld [tilespmem:s13+$0xFFFFFFF0]  }
0x16: {  	v4 =	vadd.f32 v5, v4  }
0x17: {  	v5 =	vld [tilespmem:s13+$0x0]  }
0x18: {  	v4 =	vadd.f32 v7, v4;
	_ =	sdelay $0x1  }
0x19: {  	v7 =	vld [tilespmem:s13+$0x10];
	v4 =	vadd.f32 v6, v4;
	_ =	sdelay $0x1  }
0x1a: {  	v6 =	vadd.f32 v5, v4;
	v4 =	vld [tilespmem:s13+$0x20];
	_ =	sdelay $0x1  }
0x1b: {  	v5 =	vld [tilespmem:s13+$0x30]  }
0x1c: {  	s12 =	simm.s32 $0x0;
	s13 =	simm.s32 $0xC0;
	v6 =	vadd.f32 v7, v6  }
.LBB2_2:
0x1d: {  	v7 =	vld [tilespmem:s13+$0xFFFFFFC0];
	s12 =	sadd.s32 $0x80, s12  }
0x1e: {  	p0 =	slt.u32 s12, $0x7F80;
	v4 =	vadd.f32 v4, v6  }
0x1f: {  	v6 =	vld [tilespmem:s13+$0xFFFFFFD0]  }
0x20: {  	v4 =	vadd.f32 v5, v4  }
0x21: {  	v5 =	vld [tilespmem:s13+$0xFFFFFFE0]  }
0x22: {  	v4 =	vadd.f32 v7, v4  }
0x23: {  	v7 =	vld [tilespmem:s13+$0xFFFFFFF0]  }
0x24: {  	v4 =	vadd.f32 v6, v4  }
0x25: {  	v6 =	vld [tilespmem:s13+$0x0]  }
0x26: {  	v4 =	vadd.f32 v5, v4  }
0x27: {  	v8 =	vld [tilespmem:s13+$0x10]  }
.Ltmp0:
0x28: {  	v5 =	vadd.f32 v7, v4;
	(pc) =	sbr.rel @p0 .LBB2_2-.Ltmp0, $4  }
0x29: {  	v4 =	vld [tilespmem:s13+$0x20]  }
0x2a: {  	v6 =	vadd.f32 v6, v5  }
0x2b: {  	v5 =	vld [tilespmem:s13+$0x30]  }
0x2c: {  	s13 =	sadd.s32 $0x80, s13;
	v6 =	vadd.f32 v8, v6  }
0x2d: {  	_ = 	snop  }
0x2e: {  	v4 =	vadd.f32 v4, v6;
	_ =	sdelay $0x1  }
0x2f: {  	v4 =	vadd.f32 v5, v4;
	_ =	sdelay $0x1  }
0x30: {  	[tilespmem:$0x10000] =	vst v4  }
0x31: {  	v5 =	vld.idx.msk [tilespmem:v0+s9+$0x0], $0xffff;
	_ =	sdelay $0x4  }
0x32: {  	v4 =	vadd.f32 v5, v4;
	_ =	sdelay $0x1  }
0x33: {  	[tilespmem:$0x10000] =	vst v4  }
0x34: {  	v5 =	vld.idx.msk [tilespmem:v1+s9+$0x0], $0xffff;
	_ =	sdelay $0x4  }
0x35: {  	v4 =	vadd.f32 v5, v4;
	_ =	sdelay $0x1  }
0x36: {  	[tilespmem:$0x10000] =	vst v4  }
0x37: {  	v5 =	vld.idx.msk [tilespmem:v2+s9+$0x0], $0xffff;
	_ =	sdelay $0x4  }
0x38: {  	v4 =	vadd.f32 v5, v4;
	_ =	sdelay $0x1  }
0x39: {  	[tilespmem:$0x10000] =	vst v4  }
0x3a: {  	v5 =	vld.idx.msk [tilespmem:v3+s9+$0x0], $0xffff;
	_ =	sdelay $0x4  }
0x3b: {  	v4 =	vadd.f32 v5, v4;
	_ =	sdelay $0x1  }
0x3c: {  	(erf) = vrcp.f32 v4;
	_ =	sdelay $0x3  }
0x3d: {  	s12 =	simm.s32 $0x40  }
0x3e: {  	v5 =	vld [tilespmem:s12+$0xFFFFFFC0];
	_ =	sdelay $0x1  }
0x3f: {  	v6 =	vld [tilespmem:s12+$0xFFFFFFD0];
	_ =	sdelay $0x1  }
0x40: {  	v7 =	vld [tilespmem:s12+$0xFFFFFFE0];
	v4 =	vpop (erf)  }
0x41: {  	v8 =	vmul.f32 v5, v4  }
0x42: {  	v9 =	vld [tilespmem:s12+$0xFFFFFFF0]  }
0x43: {  	v10 =	vmul.f32 v6, v4;
	v5 =	vsub.f32 $1.000000000e+00, v8  }
0x44: {  	v11 =	vld [tilespmem:s12+$0x0]  }
0x45: {  	s13 =	simm.s32 $0x8040;
	v12 =	vsub.f32 $1.000000000e+00, v10;
	v6 =	vmax.f32 v5, $1.192092900e-07;
	v5 =	vmul.f32 v7, v4  }
0x46: {  	v16 =	vld [tilespmem:s12+$0x10];
	[tilespmem:s13+$0xFFFFFFC0] =	vst v8;
	v7 =	vmul.f32 v6, v6  }
0x47: {  	[tilespmem:s13+$0xFFFFFFD0] =	vst v10;
	v12 =	vmax.f32 v12, $1.192092900e-07;
	v6 =	vmul.f32 v9, v4;
	v13 =	vsub.f32 $1.000000000e+00, v5  }
0x48: {  	v14 =	vimm.f32 $0.0e+00;
	v15 =	vmul.f32 v12, v12;
	v9 =	vld [tilespmem:s12+$0x20];
	[tilespmem:s13+$0xFFFFFFE0] =	vst v5;
	v8 =	vmul.f32 v7, v8  }
0x49: {  	[tilespmem:s13+$0xFFFFFFF0] =	vst v6;
	v17 =	vsub.f32 $1.000000000e+00, v6;
	v7 =	vmul.f32 v11, v4;
	v13 =	vmax.f32 v13, $1.192092900e-07  }
0x4a: {  	v11 =	vmul.f32 v15, v10;
	v10 =	vld [tilespmem:s12+$0x30];
	[tilespmem:s12+$0xFFFFFFC0] =	vst v8;
	v12 =	vadd.f32 v8, v14;
	v13 =	vmul.f32 v13, v13  }
0x4b: {  	s14 =	simm.s32 $0x0;
	s15 =	simm.s32 $0xC0;
	v14 =	vmax.f32 v17, $1.192092900e-07;
	[tilespmem:s13+$0x0] =	vst v7;
	v15 =	vsub.f32 $1.000000000e+00, v7;
	v8 =	vmul.f32 v16, v4  }
.LBB2_4:
0x4c: {  	v16 =	vld [tilespmem:s15+$0xFFFFFFC0];
	s14 =	sadd.s32 $0x80, s14;
	[tilespmem:s12+$0xFFFFFFD0] =	vst v11;
	v11 =	vadd.f32 v11, v12;
	v5 =	vmul.f32 v13, v5;
	v12 =	vmul.f32 v14, v14  }
0x4d: {  	p0 =	slt.u32 s14, $0x7F80;
	v13 =	vmax.f32 v15, $1.192092900e-07;
	[tilespmem:s13+$0x10] =	vst v8;
	v14 =	vsub.f32 $1.000000000e+00, v8;
	v9 =	vmul.f32 v9, v4  }
0x4e: {  	v15 =	vld [tilespmem:s15+$0xFFFFFFD0];
	[tilespmem:s12+$0xFFFFFFE0] =	vst v5;
	v5 =	vadd.f32 v5, v11;
	v6 =	vmul.f32 v12, v6;
	v11 =	vmul.f32 v13, v13  }
0x4f: {  	v12 =	vmax.f32 v14, $1.192092900e-07;
	[tilespmem:s13+$0x20] =	vst v9;
	v13 =	vsub.f32 $1.000000000e+00, v9;
	v10 =	vmul.f32 v10, v4  }
0x50: {  	v14 =	vld [tilespmem:s15+$0xFFFFFFE0];
	[tilespmem:s12+$0xFFFFFFF0] =	vst v6;
	v5 =	vadd.f32 v6, v5;
	v6 =	vmul.f32 v11, v7;
	v7 =	vmul.f32 v12, v12  }
0x51: {  	v11 =	vmul.f32 v16, v4;
	v12 =	vmax.f32 v13, $1.192092900e-07;
	[tilespmem:s13+$0x30] =	vst v10;
	v13 =	vsub.f32 $1.000000000e+00, v10  }
0x52: {  	s13 =	sadd.s32 $0x80, s13;
	v16 =	vld [tilespmem:s15+$0xFFFFFFF0];
	[tilespmem:s12+$0x0] =	vst v6;
	v5 =	vadd.f32 v6, v5;
	v6 =	vmul.f32 v7, v8;
	v7 =	vmul.f32 v12, v12  }
0x53: {  	[tilespmem:s13+$0xFFFFFFC0] =	vst v11;
	v8 =	vsub.f32 $1.000000000e+00, v11;
	v15 =	vmul.f32 v15, v4;
	v12 =	vmax.f32 v13, $1.192092900e-07  }
0x54: {  	v13 =	vld [tilespmem:s15+$0x0];
	[tilespmem:s12+$0x10] =	vst v6;
	v6 =	vadd.f32 v6, v5;
	v7 =	vmul.f32 v7, v9;
	v9 =	vmul.f32 v12, v12  }
0x55: {  	v8 =	vmax.f32 v8, $1.192092900e-07;
	[tilespmem:s13+$0xFFFFFFD0] =	vst v15;
	v12 =	vsub.f32 $1.000000000e+00, v15;
	v5 =	vmul.f32 v14, v4  }
0x56: {  	v8 =	vmul.f32 v8, v8;
	v17 =	vld [tilespmem:s15+$0x10];
	[tilespmem:s12+$0x20] =	vst v7;
	v7 =	vadd.f32 v7, v6;
	v10 =	vmul.f32 v9, v10  }
.Ltmp1:
0x57: {  	v9 =	vmax.f32 v12, $1.192092900e-07;
	[tilespmem:s13+$0xFFFFFFE0] =	vst v5;
	v12 =	vsub.f32 $1.000000000e+00, v5;
	v6 =	vmul.f32 v16, v4;
	(pc) =	sbr.rel @p0 .LBB2_4-.Ltmp1, $4  }
0x58: {  	v8 =	vmul.f32 v8, v11;
	v11 =	vmul.f32 v9, v9;
	v9 =	vld [tilespmem:s15+$0x20];
	[tilespmem:s12+$0x30] =	vst v10;
	v10 =	vadd.f32 v10, v7;
	s12 =	smov.u32 s15  }
0x59: {  	v14 =	vmax.f32 v12, $1.192092900e-07;
	[tilespmem:s13+$0xFFFFFFF0] =	vst v6;
	v16 =	vsub.f32 $1.000000000e+00, v6;
	v7 =	vmul.f32 v13, v4  }
0x5a: {  	[tilespmem:s15+$0xFFFFFFC0] =	vst v8;
	v12 =	vadd.f32 v8, v10;
	v11 =	vmul.f32 v11, v15;
	v13 =	vmul.f32 v14, v14;
	v10 =	vld [tilespmem:s15+$0x30]  }
0x5b: {  	s15 =	sadd.s32 $0x80, s15;
	v14 =	vmax.f32 v16, $1.192092900e-07;
	[tilespmem:s13+$0x0] =	vst v7;
	v15 =	vsub.f32 $1.000000000e+00, v7;
	v8 =	vmul.f32 v17, v4  }
0x5c: {  	v12 =	vadd.f32 v11, v12;
	v5 =	vmul.f32 v13, v5;
	v50 =	vmul.f32 v14, v14  }
0x5d: {  	v51 =	vmax.f32 v15, $1.192092900e-07;
	v52 =	vsub.f32 $1.000000000e+00, v8;
	v9 =	vmul.f32 v9, v4  }
0x5e: {  	v12 =	vadd.f32 v5, v12;
	v6 =	vmul.f32 v50, v6;
	v53 =	vmul.f32 v51, v51  }
0x5f: {  	v54 =	vmax.f32 v52, $1.192092900e-07;
	v55 =	vsub.f32 $1.000000000e+00, v9;
	v4 =	vmul.f32 v10, v4  }
0x60: {  	[tilespmem:s12+$0xFFFFFFD0] =	vst v11;
	v56 =	vadd.f32 v6, v12;
	v7 =	vmul.f32 v53, v7;
	v57 =	vmul.f32 v54, v54  }
0x61: {  	[tilespmem:s13+$0x10] =	vst v8;
	v58 =	vmax.f32 v55, $1.192092900e-07;
	v59 =	vsub.f32 $1.000000000e+00, v4  }
0x62: {  	[tilespmem:s12+$0xFFFFFFE0] =	vst v5;
	v5 =	vadd.f32 v7, v56;
	v60 =	vmul.f32 v57, v8;
	v61 =	vmul.f32 v58, v58  }
0x63: {  	[tilespmem:s13+$0x20] =	vst v9;
	v62 =	vmax.f32 v59, $1.192092900e-07  }
0x64: {  	[tilespmem:s12+$0xFFFFFFF0] =	vst v6;
	v5 =	vadd.f32 v60, v5;
	v6 =	vmul.f32 v61, v9;
	v63 =	vmul.f32 v62, v62  }
0x65: {  	[tilespmem:s13+$0x30] =	vst v4  }
0x66: {  	[tilespmem:s12+$0x0] =	vst v7;
	v5 =	vadd.f32 v6, v5;
	v4 =	vmul.f32 v63, v4  }
0x67: {  	[tilespmem:s12+$0x10] =	vst v60  }
0x68: {  	[tilespmem:s12+$0x20] =	vst v6;
	v5 =	vadd.f32 v4, v5  }
0x69: {  	[tilespmem:s12+$0x30] =	vst v4  }
0x6a: {  	[tilespmem:$0x10000] =	vst v5  }
0x6b: {  	v4 =	vld.idx.msk [tilespmem:v0+s9+$0x0], $0xffff;
	_ =	sdelay $0x4  }
0x6c: {  	v4 =	vadd.f32 v4, v5;
	_ =	sdelay $0x1  }
0x6d: {  	[tilespmem:$0x10000] =	vst v4  }
0x6e: {  	v5 =	vld.idx.msk [tilespmem:v1+s9+$0x0], $0xffff;
	_ =	sdelay $0x4  }
0x6f: {  	v4 =	vadd.f32 v5, v4;
	_ =	sdelay $0x1  }
0x70: {  	[tilespmem:$0x10000] =	vst v4  }
0x71: {  	v5 =	vld.idx.msk [tilespmem:v2+s9+$0x0], $0xffff;
	_ =	sdelay $0x4  }
0x72: {  	v4 =	vadd.f32 v5, v4;
	_ =	sdelay $0x1  }
0x73: {  	[tilespmem:$0x10000] =	vst v4  }
0x74: {  	v5 =	vld.idx.msk [tilespmem:v3+s9+$0x0], $0xffff;
	_ =	sdelay $0x4  }
0x75: {  	s12 =	simm.s32 $0x0;
	v4 =	vadd.f32 v5, v4  }
.LBB2_6:
0x76: {  	_ = 	snop  }
0x77: {  	(erf) = vrcp.f32 v4;
	_ =	sdelay $0x3  }
0x78: {  	s13 =	simm.s32 $0x0  }
0x79: {  	v5 =	vld [tilespmem:s13+$0x0];
	_ =	sdelay $0x1  }
0x7a: {  	v6 =	vld [tilespmem:s13+$0x10];
	_ =	sdelay $0x1  }
0x7b: {  	v7 =	vld [tilespmem:s13+$0x20];
	v4 =	vpop (erf)  }
0x7c: {  	v9 =	vmul.f32 v5, v4  }
0x7d: {  	v10 =	vld [tilespmem:s13+$0x30]  }
0x7e: {  	v12 =	vld [tilespmem:s13+$0x40];
	v11 =	vmul.f32 v6, v4;
	v5 =	vsub.f32 $1.000000000e+00, v9  }
0x7f: {  	v8 =	vld [tilespmem:s13+$0x50]  }
0x80: {  	[tilespmem:s13+$0x8000] =	vst.add.f32.msk $0xffff, v9;
	v13 =	vsub.f32 $1.000000000e+00, v11;
	v6 =	vmax.f32 v5, $1.192092900e-07;
	v5 =	vmul.f32 v7, v4  }
0x81: {  	[tilespmem:s13+$0x8010] =	vst.add.f32.msk $0xffff, v11;
	v7 =	vmul.f32 v6, v6  }
0x82: {  	v13 =	vmax.f32 v13, $1.192092900e-07;
	v6 =	vmul.f32 v10, v4;
	[tilespmem:s13+$0x8020] =	vst.add.f32.msk $0xffff, v5;
	v14 =	vsub.f32 $1.000000000e+00, v5  }
0x83: {  	v10 =	vimm.f32 $0.0e+00;
	v13 =	vmul.f32 v13, v13;
	v15 =	vmul.f32 v7, v9;
	v9 =	vld [tilespmem:s13+$0x60]  }
0x84: {  	[tilespmem:s13+$0x8030] =	vst.add.f32.msk $0xffff, v6;
	v7 =	vmul.f32 v12, v4;
	v16 =	vmax.f32 v14, $1.192092900e-07;
	v14 =	vsub.f32 $1.000000000e+00, v6  }
0x85: {  	s14 =	simm.s32 $0x0;
	s15 =	simm.s32 $0x200;
	v11 =	vmul.f32 v13, v11;
	[tilespmem:s13+$0x0] =	vst v15;
	v12 =	vadd.f32 v15, v10;
	v13 =	vmul.f32 v16, v16;
	v10 =	vld [tilespmem:s13+$0x70]  }
.LBB2_7:
0x86: {  	s16 =	sshra.s32 s15, $0x2;
	s14 =	sadd.s32 $0x80, s14;
	v14 =	vmax.f32 v14, $1.192092900e-07;
	[tilespmem:s13+$0x8040] =	vst.add.f32.msk $0xffff, v7;
	v15 =	vsub.f32 $1.000000000e+00, v7;
	v8 =	vmul.f32 v8, v4  }
0x87: {  	v16 =	vld [tilespmem:s16+$0x0];
	p0 =	slt.u32 s14, $0x7F80;
	[tilespmem:s13+$0x10] =	vst v11;
	v11 =	vadd.f32 v11, v12;
	v5 =	vmul.f32 v13, v5;
	v12 =	vmul.f32 v14, v14  }
0x88: {  	v13 =	vmax.f32 v15, $1.192092900e-07;
	[tilespmem:s13+$0x8050] =	vst.add.f32.msk $0xffff, v8;
	v14 =	vsub.f32 $1.000000000e+00, v8;
	v9 =	vmul.f32 v9, v4  }
0x89: {  	v15 =	vld [tilespmem:s16+$0x10];
	[tilespmem:s13+$0x20] =	vst v5;
	v5 =	vadd.f32 v5, v11;
	v6 =	vmul.f32 v12, v6;
	v11 =	vmul.f32 v13, v13  }
0x8a: {  	v12 =	vmax.f32 v14, $1.192092900e-07;
	[tilespmem:s13+$0x8060] =	vst.add.f32.msk $0xffff, v9;
	v13 =	vsub.f32 $1.000000000e+00, v9;
	v10 =	vmul.f32 v10, v4  }
0x8b: {  	v14 =	vld [tilespmem:s16+$0x20];
	[tilespmem:s13+$0x30] =	vst v6;
	v5 =	vadd.f32 v6, v5;
	v6 =	vmul.f32 v11, v7;
	v7 =	vmul.f32 v12, v12  }
0x8c: {  	v11 =	vmul.f32 v16, v4;
	v12 =	vmax.f32 v13, $1.192092900e-07;
	[tilespmem:s13+$0x8070] =	vst.add.f32.msk $0xffff, v10;
	v13 =	vsub.f32 $1.000000000e+00, v10  }
0x8d: {  	v16 =	vld [tilespmem:s16+$0x30];
	[tilespmem:s13+$0x40] =	vst v6;
	v5 =	vadd.f32 v6, v5;
	v6 =	vmul.f32 v7, v8;
	v7 =	vmul.f32 v12, v12  }
0x8e: {  	[tilespmem:s16+$0x8000] =	vst.add.f32.msk $0xffff, v11;
	v8 =	vsub.f32 $1.000000000e+00, v11;
	v15 =	vmul.f32 v15, v4;
	v12 =	vmax.f32 v13, $1.192092900e-07  }
0x8f: {  	v13 =	vld [tilespmem:s16+$0x40];
	[tilespmem:s13+$0x50] =	vst v6;
	v6 =	vadd.f32 v6, v5;
	v7 =	vmul.f32 v7, v9;
	v9 =	vmul.f32 v12, v12  }
0x90: {  	v8 =	vmax.f32 v8, $1.192092900e-07;
	[tilespmem:s16+$0x8010] =	vst.add.f32.msk $0xffff, v15;
	v12 =	vsub.f32 $1.000000000e+00, v15;
	v5 =	vmul.f32 v14, v4  }
.Ltmp2:
0x91: {  	v14 =	vmul.f32 v8, v8;
	v8 =	vld [tilespmem:s16+$0x50];
	[tilespmem:s13+$0x60] =	vst v7;
	v7 =	vadd.f32 v7, v6;
	v10 =	vmul.f32 v9, v10;
	(pc) =	sbr.rel @p0 .LBB2_7-.Ltmp2, $4  }
0x92: {  	v9 =	vmax.f32 v12, $1.192092900e-07;
	[tilespmem:s16+$0x8020] =	vst.add.f32.msk $0xffff, v5;
	v12 =	vsub.f32 $1.000000000e+00, v5;
	v6 =	vmul.f32 v16, v4  }
0x93: {  	v11 =	vmul.f32 v14, v11;
	v16 =	vmul.f32 v9, v9;
	v9 =	vld [tilespmem:s16+$0x60];
	[tilespmem:s13+$0x70] =	vst v10;
	v10 =	vadd.f32 v10, v7;
	s13 =	smov.u32 s16  }
0x94: {  	v17 =	vmax.f32 v12, $1.192092900e-07;
	[tilespmem:s13+$0x8030] =	vst.add.f32.msk $0xffff, v6;
	v14 =	vsub.f32 $1.000000000e+00, v6;
	v7 =	vmul.f32 v13, v4  }
0x95: {  	s15 =	sadd.s32 $0x200, s15;
	[tilespmem:s13+$0x0] =	vst v11;
	v12 =	vadd.f32 v11, v10;
	v11 =	vmul.f32 v16, v15;
	v13 =	vmul.f32 v17, v17;
	v10 =	vld [tilespmem:s13+$0x70]  }
0x96: {  	v14 =	vmax.f32 v14, $1.192092900e-07;
	v15 =	vsub.f32 $1.000000000e+00, v7;
	v8 =	vmul.f32 v8, v4  }
0x97: {  	v12 =	vadd.f32 v11, v12;
	v5 =	vmul.f32 v13, v5;
	v51 =	vmul.f32 v14, v14  }
0x98: {  	v52 =	vmax.f32 v15, $1.192092900e-07;
	v53 =	vsub.f32 $1.000000000e+00, v8;
	v9 =	vmul.f32 v9, v4  }
0x99: {  	v12 =	vadd.f32 v5, v12;
	v6 =	vmul.f32 v51, v6;
	v54 =	vmul.f32 v52, v52  }
0x9a: {  	[tilespmem:s13+$0x8040] =	vst.add.f32.msk $0xffff, v7;
	v55 =	vmax.f32 v53, $1.192092900e-07;
	v56 =	vsub.f32 $1.000000000e+00, v9;
	v4 =	vmul.f32 v10, v4  }
0x9b: {  	[tilespmem:s13+$0x10] =	vst v11;
	v57 =	vadd.f32 v6, v12;
	v7 =	vmul.f32 v54, v7;
	v58 =	vmul.f32 v55, v55  }
0x9c: {  	[tilespmem:s13+$0x8050] =	vst.add.f32.msk $0xffff, v8;
	v59 =	vmax.f32 v56, $1.192092900e-07;
	v60 =	vsub.f32 $1.000000000e+00, v4  }
0x9d: {  	[tilespmem:s13+$0x20] =	vst v5;
	v5 =	vadd.f32 v7, v57;
	v8 =	vmul.f32 v58, v8;
	v61 =	vmul.f32 v59, v59  }
0x9e: {  	[tilespmem:s13+$0x8060] =	vst.add.f32.msk $0xffff, v9;
	v62 =	vmax.f32 v60, $1.192092900e-07  }
0x9f: {  	[tilespmem:s13+$0x30] =	vst v6;
	v5 =	vadd.f32 v8, v5;
	v6 =	vmul.f32 v61, v9;
	v63 =	vmul.f32 v62, v62  }
0xa0: {  	[tilespmem:s13+$0x8070] =	vst.add.f32.msk $0xffff, v4  }
0xa1: {  	[tilespmem:s13+$0x40] =	vst v7;
	v5 =	vadd.f32 v6, v5;
	v4 =	vmul.f32 v63, v4  }
0xa2: {  	[tilespmem:s13+$0x50] =	vst v8  }
0xa3: {  	[tilespmem:s13+$0x60] =	vst v6;
	v5 =	vadd.f32 v4, v5  }
0xa4: {  	[tilespmem:s13+$0x70] =	vst v4  }
0xa5: {  	[tilespmem:$0x10000] =	vst v5  }
0xa6: {  	v4 =	vld.idx.msk [tilespmem:v0+s9+$0x0], $0xffff;
	_ =	sdelay $0x4  }
0xa7: {  	v4 =	vadd.f32 v4, v5;
	_ =	sdelay $0x1  }
0xa8: {  	[tilespmem:$0x10000] =	vst v4  }
0xa9: {  	v5 =	vld.idx.msk [tilespmem:v1+s9+$0x0], $0xffff;
	_ =	sdelay $0x4  }
0xaa: {  	v4 =	vadd.f32 v5, v4;
	_ =	sdelay $0x1  }
0xab: {  	[tilespmem:$0x10000] =	vst v4  }
0xac: {  	v5 =	vld.idx.msk [tilespmem:v2+s9+$0x0], $0xffff;
	_ =	sdelay $0x4  }
0xad: {  	v4 =	vadd.f32 v5, v4;
	_ =	sdelay $0x1  }
0xae: {  	s12 =	sadd.s32 $0x1, s12;
	[tilespmem:$0x10000] =	vst v4  }
0xaf: {  	p0 =	sne.s32 s12, $0x8;
	v5 =	vld.idx.msk [tilespmem:v3+s9+$0x0], $0xffff  }
.Ltmp3:
0xb0: {  	_ = 	snop;
	(pc) =	sbr.rel @p0 .LBB2_6-.Ltmp3, $2  }
0xb1: {  	_ =	sdelay $0x2  }
0xb2: {  	v4 =	vadd.f32 v5, v4  }
0xb3: {  	_ = 	snop  }
0xb4: {  	(erf) = vrcp.f32 v4;
	_ =	sdelay $0x3  }
0xb5: {  	s12 =	simm.s32 $0x0  }
0xb6: {  	v5 =	vld [tilespmem:s12+$0x70]  }
0xb7: {  	v6 =	vld [tilespmem:s12+$0x0]  }
0xb8: {  	v7 =	vld [tilespmem:s12+$0x10]  }
0xb9: {  	v8 =	vld [tilespmem:s12+$0x20]  }
0xba: {  	v9 =	vld [tilespmem:s12+$0x30];
	v4 =	vpop (erf)  }
0xbb: {  	v11 =	vld [tilespmem:s12+$0x50];
	v5 =	vmul.f32 v5, v4  }
0xbc: {  	v10 =	vld [tilespmem:s12+$0x40]  }
0xbd: {  	v6 =	vmul.f32 v6, v4;
	[tilespmem:s12+$0x8070] =	vst.add.f32.msk $0xffff, v5  }
0xbe: {  	v8 =	vmul.f32 v8, v4;
	v5 =	vmul.f32 v7, v4;
	v7 =	vld [tilespmem:s12+$0x60]  }
0xbf: {  	[tilespmem:s12+$0x8000] =	vst.add.f32.msk $0xffff, v6  }
0xc0: {  	v63 =	vmul.f32 v11, v4;
	[tilespmem:s12+$0x8020] =	vst.add.f32.msk $0xffff, v8  }
0xc1: {  	[tilespmem:s12+$0x8010] =	vst.add.f32.msk $0xffff, v5;
	v5 =	vmul.f32 v10, v4  }
0xc2: {  	v6 =	vmul.f32 v9, v4;
	[tilespmem:s12+$0x8050] =	vst.add.f32.msk $0xffff, v63  }
0xc3: {  	[tilespmem:s12+$0x8040] =	vst.add.f32.msk $0xffff, v5;
	v5 =	vmul.f32 v7, v4  }
0xc4: {  	s13 =	simm.s32 $0x0;
	s14 =	simm.s32 $0x200;
	[tilespmem:s12+$0x8030] =	vst.add.f32.msk $0xffff, v6  }
.LBB2_10:
0xc5: {  	s13 =	sadd.s32 $0x80, s13;
	[tilespmem:s12+$0x8060] =	vst.add.f32.msk $0xffff, v5;
	s12 =	sshra.s32 s14, $0x2  }
0xc6: {  	v5 =	vld [tilespmem:s12+$0x70];
	p0 =	slt.u32 s13, $0x7F80  }
0xc7: {  	v6 =	vld [tilespmem:s12+$0x0]  }
0xc8: {  	v7 =	vld [tilespmem:s12+$0x10]  }
0xc9: {  	v8 =	vld [tilespmem:s12+$0x20]  }
0xca: {  	v9 =	vld [tilespmem:s12+$0x30]  }
0xcb: {  	v10 =	vld [tilespmem:s12+$0x40];
	v5 =	vmul.f32 v5, v4  }
0xcc: {  	v6 =	vmul.f32 v6, v4;
	v11 =	vld [tilespmem:s12+$0x50]  }
0xcd: {  	v7 =	vmul.f32 v7, v4;
	[tilespmem:s12+$0x8070] =	vst.add.f32.msk $0xffff, v5  }
0xce: {  	v5 =	vmul.f32 v8, v4;
	v8 =	vld [tilespmem:s12+$0x60]  }
0xcf: {  	[tilespmem:s12+$0x8000] =	vst.add.f32.msk $0xffff, v6;
	v6 =	vmul.f32 v9, v4  }
.Ltmp4:
0xd0: {  	[tilespmem:s12+$0x8010] =	vst.add.f32.msk $0xffff, v7;
	v7 =	vmul.f32 v10, v4;
	(pc) =	sbr.rel @p0 .LBB2_10-.Ltmp4, $4  }
0xd1: {  	[tilespmem:s12+$0x8020] =	vst.add.f32.msk $0xffff, v5;
	v9 =	vmul.f32 v11, v4  }
0xd2: {  	[tilespmem:s12+$0x8030] =	vst.add.f32.msk $0xffff, v6  }
0xd3: {  	[tilespmem:s12+$0x8040] =	vst.add.f32.msk $0xffff, v7;
	v5 =	vmul.f32 v8, v4  }
0xd4: {  	s14 =	sadd.s32 $0x200, s14;
	[tilespmem:s12+$0x8050] =	vst.add.f32.msk $0xffff, v9  }
0xd5: {  	s11 =	sadd.s32 $0x1, s11  }
0xd6: {  	p0 =	sne.s32 s11, s5  }
.Ltmp5:
0xd7: {  	[tilespmem:s12+$0x8060] =	vst.add.f32.msk $0xffff, v5;
	(pc) =	sbr.rel @p0 .LBB2_1-.Ltmp5, $4  }
0xd8: {  	[hbm4b:s4+s1] =	stream.linear.scatter [tilespmem:s10], [sflag:$0x1], $0x8000, $0x38;
	[tilespmem:$0x10080] =	vst v63  }
0xd9: {  	_ =	swait.ge [sflag:s8], $0x8000  }
0xda: {  	[sflag:s8] =	ssyncset.done $0x0  }
0xdb: {  	[sflag:s8] =	ssyncadd.s32 $0xFFFF8000  }
0xdc: {  	_ =	sfence.sel $0x180000  }
0xdd: {  	[bflag:$0x0] =	sbarrier.arrive $0xFFFF  }
0xde: {  	p0 =	sne.s32 s0, $0x0;
	_ =	strace $0x90000047  }
0xdf: {  	s0 =	sadd.s32 @!p0 $0x100000, s2;
	[bflag:$0x2] =	sbarrier.arrive $0xFFFF  }
0xe0: {  	[sflag:s0] =	ssyncadd.tile.s32 @!p0 $0x1;
	_ =	shalt  }
.Lfunc_end2:
_tile_overlayer_lowered:
.L_overlay_start_2:
0xe1: {  	(tag) =	ssettag $0x2  }
0xe2: {  	s0 =	rddreg [dreg:$0x0];
	s2 =	stileid.u32  }
0xe3: {  	s1 =	rddreg [dreg:$0x1];
	p0 =	sne.s32 s2, $0x0  }
0xe4: {  	s3 =	rddreg [dreg:$0x2];
	[bflag:$0x3] =	sbarrier.arrive $0xFFFF;
	s2 =	simm.s32 @!p0 $0x1C01  }
0xe5: {  	[timem:s3], [sflag:s2] =	dma.local @!p0 [hbm:s0], s1  }
0xe6: {  	s0 =	simm.s32 @!p0 $0x1  }
0xe7: {  	_ =	swait.ge @!p0 [sflag:s0], s1  }
0xe8: {  	s1 =	ssub.s32 @!p0 $0x0, s1;
	[sflag:s0] =	ssyncset.done @!p0 $0x0  }
0xe9: {  	[sflag:s0] =	ssyncadd.s32 @!p0 s1  }
0xea: {  	[bflag:$0x3] =	sbarrier.arrive $0xFFFF  }
0xeb: {  	_ =	shalt  }

// kernel: kernel.7.cloned.1.call-start
scs
__scs_entry_jumppad:
0x0: {  	(pc) =	sbr.rel $0x88, $3  }
0x1: {  	(tag) =	ssettag $0x0;
	lr =	simm.s32 $0x1  }
0x2: {  	[smem:$0x3FA0] =	sst lr;
	_ =	strace $0xD0000000  }
0x3: {  	_ = 	snop  }
0x4: {  	_ = 	snop  }
0x5: {  	_ = 	snop  }
0x6: {  	_ = 	snop  }
0x7: {  	_ = 	snop  }
__scs_overlays_trampoline_lowered:
0x8: {  	[smem:$0x3FAF] =	sst s0  }
0x9: {  	[smem:$0x3FB0] =	sst s1  }
0xa: {  	[smem:$0x3FB1] =	sst s2  }
0xb: {  	[smem:$0x3FB2] =	sst s3  }
0xc: {  	[smem:$0x3FB3] =	sst s4  }
0xd: {  	[smem:$0x3FB4] =	sst s5  }
0xe: {  	[smem:$0x3FB5] =	sst s6  }
0xf: {  	[smem:$0x3FB6] =	sst s7  }
0x10: {  	[smem:$0x3FB7] =	sst s8  }
0x11: {  	[smem:$0x3FB8] =	sst s9;
	s0 =	simm.s32 @!p0 $0x0  }
0x12: {  	s1 =	sld [smem:$0x3F9E];
	s0 =	simm.s32 @p0 $0x1  }
0x13: {  	[smem:$0x3FB9] =	sst s0;
	s0 =	simm.s32 @!p1 $0x0  }
0x14: {  	s2 =	sld [smem:$0x3F9D];
	s0 =	simm.s32 @p1 $0x1  }
0x15: {  	[smem:$0x3FBA] =	sst s0;
	s0 =	simm.s32 @!p2 $0x0  }
0x16: {  	s3 =	sld [smem:$0x3FDB];
	s0 =	simm.s32 @p2 $0x1  }
0x17: {  	s4 =	simm.s32 $0x1BF5;
	[smem:$0x3FBC] =	sst s0  }
0x18: {  	s0 =	sld [smem:$0x3F9F];
	_ =	swait.ge [sflag:s4], $0x0  }
0x19: {  	s7 =	sld [smem:$0x3FA0]  }
0x1a: {  	s8 =	sadd.s32 $0xFFFFE003, lr  }
0x1b: {  	s9 =	sadd.s32 $0xFFFFFEF7, lr;
	s5 =	simm.s32 $0xFFFFFFFF;
	p2 =	slt.u32 s8, $0xFFFFF086  }
0x1c: {  	p1 =	slt.u32 s9, $0xF7A;
	s5 =	simm.s32 @!p2 $0x0  }
0x1d: {  	s5 =	simm.s32 @p1 $0x1;
	p0 =	seq.s32 s7, s2  }
0x1e: {  	s7 =	smul.u32 @!p0 $0xF7A, s2;
	p2 =	seq.s32 @!p0 s5, $0x0  }
0x1f: {  	s9 =	smul.u32 $0xF7A, s1;
	s8 =	simm.s32 @!p0 $0x1BF5;
	p2 =	por !p2, p0  }
0x20: {  	[sflag:s8] =	ssyncset.s32 @!p0 $0xFFFFF086;
	s6 =	sadd.s32 @!p0 s3, s7;
	s7 =	simm.s32 @!p0 $0x108  }
0x21: {  	s3 =	sadd.s32 s3, s9;
	s6 =	sadd.s32 @!p0 $0x88, s6;
	s7 =	simm.s32 @p2 $0x1082  }
0x22: {  	[simem:s7], [sflag:s8] =	dma.local @!p0 [hbm:s6], $0xF7A  }
0x23: {  	s9 =	sor.u32 $0xD0000000, s2;
	s6 =	simm.s32 $0x108;
	_ =	swait.ge @!p0 [sflag:s8], $0x0  }
0x24: {  	s3 =	sadd.s32 $0x88, s3;
	s6 =	simm.s32 @!p1 $0x1082;
	[sflag:s4] =	ssyncset.s32 $0xFFFFF086  }
0x25: {  	[simem:s6], [sflag:s4] =	dma.local [hbm:s3], $0xF7A  }
0x26: {  	[smem:$0x3FA0] =	sst s1;
	(tag) =	ssettag s2;
	_ =	strace s9  }
0x27: {  	s1 =	sld [smem:$0x3FB0]  }
0x28: {  	s2 =	sld [smem:$0x3FB1]  }
0x29: {  	s4 =	sld [smem:$0x3FB3]  }
0x2a: {  	p0 =	seq.s32 s5, $0x0;
	s5 =	sld [smem:$0x3FB4]  }
0x2b: {  	s6 =	sld [smem:$0x3FB5]  }
0x2c: {  	s7 =	sld [smem:$0x3FB6]  }
0x2d: {  	s3 =	simm.s32 $0x108;
	s8 =	sld [smem:$0x3FB7]  }
0x2e: {  	s3 =	simm.s32 @!p0 $0x1082;
	s9 =	sld [smem:$0x3FB8]  }
0x2f: {  	lr =	sadd.s32 s0, s3;
	s0 =	sld [smem:$0x3FAF]  }
0x30: {  	s3 =	sld [smem:$0x3FB2]  }
0x31: {  	[smem:$0x3FBB] =	sst s10  }
0x32: {  	s10 =	sld [smem:$0x3FB9];
	_ =	sdelay $0x3  }
0x33: {  	p0 =	seq.s32 s10, $0x1;
	s10 =	sld [smem:$0x3FBB];
	_ =	sdelay $0x3  }
0x34: {  	[smem:$0x3FBB] =	sst s10  }
0x35: {  	s10 =	sld [smem:$0x3FBA];
	_ =	sdelay $0x3  }
0x36: {  	p1 =	seq.s32 s10, $0x1;
	s10 =	sld [smem:$0x3FBB];
	_ =	sdelay $0x3  }
0x37: {  	[smem:$0x3FBB] =	sst s10  }
0x38: {  	s10 =	sld [smem:$0x3FBC]  }
0x39: {  	_ = 	snop;
	(pc) =	sbr.ind lr, $3  }
0x3a: {  	_ = 	snop  }
0x3b: {  	_ = 	snop  }
0x3c: {  	p2 =	seq.s32 s10, $0x1;
	s10 =	sld [smem:$0x3FBB]  }
0x3d: {  	_ =	shalt  }
0x3e: {  	_ =	shalt  }
0x3f: {  	_ =	shalt  }
0x40: {  	_ =	shalt  }
0x41: {  	_ =	shalt  }
0x42: {  	_ =	shalt  }
0x43: {  	_ =	shalt  }
0x44: {  	_ =	shalt  }
0x45: {  	_ =	shalt  }
0x46: {  	_ =	shalt  }
0x47: {  	_ =	shalt  }
0x48: {  	_ =	shalt  }
0x49: {  	_ =	shalt  }
0x4a: {  	_ =	shalt  }
0x4b: {  	_ =	shalt  }
0x4c: {  	_ =	shalt  }
0x4d: {  	_ =	shalt  }
0x4e: {  	_ =	shalt  }
0x4f: {  	_ =	shalt  }
0x50: {  	_ =	shalt  }
0x51: {  	_ =	shalt  }
0x52: {  	_ =	shalt  }
0x53: {  	_ =	shalt  }
0x54: {  	_ =	shalt  }
0x55: {  	_ =	shalt  }
0x56: {  	_ =	shalt  }
0x57: {  	_ =	shalt  }
0x58: {  	_ =	shalt  }
0x59: {  	_ =	shalt  }
0x5a: {  	_ =	shalt  }
0x5b: {  	_ =	shalt  }
0x5c: {  	_ =	shalt  }
0x5d: {  	_ =	shalt  }
0x5e: {  	_ =	shalt  }
0x5f: {  	_ =	shalt  }
0x60: {  	_ =	shalt  }
0x61: {  	_ =	shalt  }
0x62: {  	_ =	shalt  }
0x63: {  	_ =	shalt  }
0x64: {  	_ =	shalt  }
0x65: {  	_ =	shalt  }
0x66: {  	_ =	shalt  }
0x67: {  	_ =	shalt  }
0x68: {  	_ =	shalt  }
0x69: {  	_ =	shalt  }
0x6a: {  	_ =	shalt  }
0x6b: {  	_ =	shalt  }
0x6c: {  	_ =	shalt  }
0x6d: {  	_ =	shalt  }
0x6e: {  	_ =	shalt  }
0x6f: {  	_ =	shalt  }
0x70: {  	_ =	shalt  }
0x71: {  	_ =	shalt  }
0x72: {  	_ =	shalt  }
0x73: {  	_ =	shalt  }
0x74: {  	_ =	shalt  }
0x75: {  	_ =	shalt  }
0x76: {  	_ =	shalt  }
0x77: {  	_ =	shalt  }
0x78: {  	_ =	shalt  }
0x79: {  	_ =	shalt  }
0x7a: {  	_ =	shalt  }
0x7b: {  	_ =	shalt  }
0x7c: {  	_ =	shalt  }
0x7d: {  	_ =	shalt  }
0x7e: {  	_ =	shalt  }
0x7f: {  	_ =	shalt  }
0x80: {  	_ =	shalt  }
0x81: {  	_ =	shalt  }
0x82: {  	_ =	shalt  }
0x83: {  	_ =	shalt  }
0x84: {  	_ =	shalt  }
0x85: {  	_ =	shalt  }
0x86: {  	_ =	shalt  }
0x87: {  	_ =	shalt  }
.Lfunc_end0:
.L_simem_size_0:
called_computation.1_lowered:
.L_overlay_start_0:
0x88: {  	s2 =	sld [smem:$0x3FD9]  }
0x89: {  	s3 =	sld [smem:$0x3FFE];
	_ =	sdelay $0x1  }
0x8a: {  	s1 =	srdreg.scid  }
0x8b: {  	s0 =	sand.u32 $0x1, s1  }
0x8c: {  	s17 =	sshll.u32 s0, $0xA;
	s2 =	sadd.s32 s3, s2  }
0x8d: {  	s2 =	sadd.s32 s2, s17  }
0x8e: {  	[smem:$0x3FC7] =	sst s2  }
0x8f: {  	_ = 	snop  }
0x90: {  	s2 =	sld [smem:$0x3FD0];
	(tm) =	ssettm $0x1  }
0x91: {  	s18 =	sld [smem:$0x3FFB];
	_ =	sdelay $0x3  }
0x92: {  	_ =	strace s18  }
0x93: {  	s3 =	sld [smem:$0x3FFC];
	_ =	sdelay $0x3  }
0x94: {  	_ =	strace s3  }
0x95: {  	s3 =	sld [smem:$0x3FFD];
	_ =	sdelay $0x3  }
0x96: {  	_ =	strace s3  }
0x97: {  	_ =	strace $0x8FFFFFFF  }
0x98: {  	s19 =	sld [smem:$0x3FDB];
	_ =	sdelay $0x1  }
0x99: {  	s4 =	simm.s32 $_scs_section_size  }
0x9a: {  	s5 =	simm.s32 $_size__tile_overlayer_lowered;
	s6 =	simm.s32 $_tile_overlayer_lowered  }
0x9b: {  	s22 =	simm.s32 $0x1BFF;
	s21 =	sshll.u32 s6, $0x1;
	s3 =	sadd.s32 s4, s19  }
0x9c: {  	s7 =	simm.s32 $0x0;
	s20 =	sshll.u32 s5, $0x1;
	s5 =	sadd.s32 s21, s3  }
0x9d: {  	[timem:s7], [sflag:s22] =	dma.local [hbm:s5], s20  }
0x9e: {  	_ =	swait.ge [sflag:s22], s20  }
0x9f: {  	s4 =	ssub.s32 $0x0, s20;
	[sflag:s22] =	ssyncset.done $0x0  }
0xa0: {  	[sflag:s22] =	ssyncadd.s32 s4;
	_ =	sdelay $0x1  }
0xa1: {  	s23 =	simm.s32 $0x1B8B  }
0xa2: {  	_ =	swait.ge [sflag:s23], $0x1  }
0xa3: {  	[sflag:s23] =	ssyncset.done $0x0  }
0xa4: {  	s25 =	simm.s32 $0x1B8E;
	s24 =	sld [smem:$0x3FFE];
	[sflag:s23] =	ssyncadd.s32 $0xFFFFFFFF  }
0xa5: {  	s26 =	simm.s32 $execute0_lowered;
	[smem:$0x3FD2] =	sst s25  }
0xa6: {  	s5 =	sshll.u32 s26, $0x1;
	_ =	strace $0x80000049;
	[dreg:$0x1] =	wrdreg $0xFFFFFFFF  }
0xa7: {  	s28 =	simm.s32 $_size_execute0_lowered;
	s3 =	sadd.s32 s3, s5;
	[dreg:$0x0] =	wrdreg $0x0  }
0xa8: {  	s5 =	sshll.u32 s28, $0x1;
	[dreg:$0x2] =	wrdreg s3  }
0xa9: {  	[dreg:$0x3] =	wrdreg s5  }
0xaa: {  	[dreg:$0x4] =	wrdreg $0xC0  }
0xab: {  	_ =	task [dreg:s7], $0x5FFFF  }
0xac: {  	[dreg:$0x1] =	wrdreg $0xFFFFFFFF  }
0xad: {  	[dreg:$0x0] =	wrdreg $0x60  }
0xae: {  	[dreg:$0x2] =	wrdreg s24  }
0xaf: {  	[dreg:$0x3] =	wrdreg s2  }
0xb0: {  	[dreg:$0x4] =	wrdreg $0x9  }
0xb1: {  	_ =	task.clear_ibuf [dreg:s7], $0x5FFFF;
	_ =	strace $0x90000049  }
0xb2: {  	s29 =	simm.s32 $0x9;
	_ =	strace $0x8000004B  }
0xb3: {  	_ =	swait.ge [sflag:s29], $0x1  }
0xb4: {  	[sflag:s29] =	ssyncadd.s32 $0xFFFFFFFF  }
0xb5: {  	_ =	strace $0x9000004B  }
0xb6: {  	_ =	sfence  }
0xb7: {  	s30 =	sld [smem:$0x0];
	_ =	sdelay $0x2  }
0xb8: {  	s31 =	sshll.u32 s1, $0xD;
	s1 =	sshrl.u32 s1, $0x2  }
0xb9: {  	s3 =	sand.u32 $0x4000, s31;
	s1 =	sadd.s32 s1, s30  }
0xba: {  	s0 =	sor.u32 s3, s0;
	s1 =	sshll.u32 s1, $0x11  }
0xbb: {  	s0 =	sor.u32 s1, s0  }
0xbc: {  	s0 =	sadd.s32 $0x8F2B, s0  }
0xbd: {  	[sflag:s0] =	ssyncadd.remote.s32 $0x1  }
0xbe: {  	_ =	sfence.sel $0xFFFF  }
0xbf: {  	[dreg:$0x0] =	wrdreg $0xFFFFFFFF;
	(pc) =	sbr.abs _section_cstart, $3  }
0xc0: {  	[dreg:$0x1] =	wrdreg $0xFFFFFFFF  }
0xc1: {  	_ =	task.clear_ibuf [dreg:s7], $0x2FFFF;
	_ =	strace $0x9FFFFFFF  }
0xc2: {  	(tm) =	ssettm $0x7FFFFFFF  }
0xc3: {  	_ =	shalt  }
tec
execute0_lowered:
.L_overlay_start_1:
0x0: {  	(tag) =	ssettag $0x1  }
0x1: {  	v0 =	vimm.s32 $0xFEDCBA98;
	s1 =	srdreg.scid;
	v1 =	vimm.s32 $0x76543210;
	s3 =	rddreg [dreg:$0x0];
	v2 =	vimm.s32 $0xBA98FEDC  }
0x2: {  	s0 =	stileid.u32;
	s5 =	rddreg [dreg:$0x1];
	v3 =	vimm.s32 $0x32107654;
	v4 =	vimm.s32 $0xDCFE98BA;
	v5 =	vimm.s32 $0x54761032  }
0x3: {  	v6 =	vimm.s32 $0xEFCDAB89;
	v7 =	vimm.s32 $0x67452301;
	s10 =	simm.s32 $0x400;
	s11 =	simm.s32 $0x2;
	s12 =	simm.s32 $0x10000  }
0x4: {  	s13 =	simm.s32 $0x8000;
	s14 =	simm.s32 $0x1;
	s15 =	simm.s32 $0x0;
	v0 =	vunpack.c.l.s4.s8 v0;
	v1 =	vunpack.c.l.s4.s8 v1;
	v2 =	vunpack.c.l.s4.s8 v2  }
0x5: {  	s4 =	sand.u32 $0x1, s1;
	s2 =	sshll.u32 s0, $0x1;
	s1 =	simm.s32 $0x0;
	v3 =	vunpack.c.l.s4.s8 v3;
	v4 =	vunpack.c.l.s4.s8 v4;
	v5 =	vunpack.c.l.s4.s8 v5  }
0x6: {  	s7 =	sshll.u32 s0, $0xD;
	v6 =	vunpack.c.l.s4.s8 v6;
	v7 =	vunpack.c.l.s4.s8 v7;
	s6 =	sor.u32 s4, s2;
	[smem:$0x7FF] =	sst s1;
	v0 =	vunpack.c.0.s8.s32 v0  }
0x7: {  	s2 =	rddreg [dreg:$0x2];
	s4 =	ssub.s32 $0x2, s4;
	s8 =	sshll.u32 s6, $0x4;
	v2 =	vunpack.c.0.s8.s32 v2;
	v3 =	vunpack.c.0.s8.s32 v3;
	v4 =	vunpack.c.0.s8.s32 v4  }
0x8: {  	_ =	strace $0x8000004A;
	s6 =	sshll.u32 s6, $0xC;
	v5 =	vunpack.c.0.s8.s32 v5;
	v6 =	vunpack.c.0.s8.s32 v6;
	v7 =	vunpack.c.0.s8.s32 v7;
	s7 =	sor.u32 s7, s8  }
0x9: {  	s31 =	sshrl.u32 s4, $0x1;
	v1 =	vunpack.c.0.s8.s32 v1;
	s9 =	sadd.s32 s6, s3;
	s7 =	sand.u32 $0x18070, s7;
	v2 =	vcombine.low v3, v2  }
0xa: {  	s8 =	ssub.s32 s4, s31;
	s4 =	sadd.s32 $0x1400, s9;
	v3 =	vcombine.low v5, v4;
	v4 =	vcombine.low v7, v6;
	v0 =	vand.u32 $0xF, v0;
	s7 =	sadd.s32 s7, s3  }
0xb: {  	s9 =	simm.s32 $0x80;
	s3 =	sadd.s32 s5, s6;
	v0 =	vcombine.low v0, v1;
	s5 =	sadd.s32 $0x21400, s7  }
0xc: {  	s6 =	sadd.s32 $0x20000, s3;
	s7 =	smax.u32 s8, $0x1;
	s8 =	simm.s32 $0x10080;
	v1 =	vand.u32 $0xF, v2;
	v2 =	vand.u32 $0xF, v3;
	v3 =	vand.u32 $0xF, v4  }
.LBB2_1:
0xd: {  	[tilespmem:s8], [sflag:$0x1] =	stream.linear.gather [hbm4b:s4+s1], $0x8000, $0x38;
	[tilespmem:$0x18080] =	vst v63  }
0xe: {  	_ = 	snop  }
0xf: {  	[tilespmem:s1], [sflag:$0x2] =	stream.strided.gather [hbm4b:s5+s9], $0x8000, s10, s9, $0x38;
	[tilespmem:$0x18080] =	vst v63  }
0x10: {  	_ =	swait.ge [sflag:s11], $0x8000  }
0x11: {  	[sflag:s11] =	ssyncset.done $0x0  }
0x12: {  	s17 =	simm.s32 $0x40;
	[sflag:s11] =	ssyncadd.s32 $0xFFFF8000  }
0x13: {  	v4 =	vld [tilespmem:s17+$0xFFFFFFC0];
	_ =	sdelay $0x1  }
0x14: {  	v5 =	vld [tilespmem:s17+$0xFFFFFFD0];
	_ =	sdelay $0x1  }
0x15: {  	v6 =	vimm.f32 $0.0e+00;
	v7 =	vld [tilespmem:s17+$0xFFFFFFE0]  }
0x16: {  	v4 =	vadd.f32 v4, v6  }
0x17: {  	v6 =	vld [tilespmem:s17+$0xFFFFFFF0]  }
0x18: {  	v4 =	vadd.f32 v5, v4  }
0x19: {  	v5 =	vld [tilespmem:s17+$0x0]  }
0x1a: {  	v4 =	vadd.f32 v7, v4;
	_ =	sdelay $0x1  }
0x1b: {  	v7 =	vld [tilespmem:s17+$0x10];
	v4 =	vadd.f32 v6, v4;
	_ =	sdelay $0x1  }
0x1c: {  	v6 =	vadd.f32 v5, v4;
	v4 =	vld [tilespmem:s17+$0x20];
	_ =	sdelay $0x1  }
0x1d: {  	v5 =	vld [tilespmem:s17+$0x30]  }
0x1e: {  	s16 =	simm.s32 $0x0;
	s17 =	simm.s32 $0xC0;
	v6 =	vadd.f32 v7, v6  }
.LBB2_2:
0x1f: {  	v7 =	vld [tilespmem:s17+$0xFFFFFFC0];
	s16 =	sadd.s32 $0x80, s16  }
0x20: {  	p0 =	slt.u32 s16, $0x7F80;
	v4 =	vadd.f32 v4, v6  }
0x21: {  	v6 =	vld [tilespmem:s17+$0xFFFFFFD0]  }
0x22: {  	v4 =	vadd.f32 v5, v4  }
0x23: {  	v5 =	vld [tilespmem:s17+$0xFFFFFFE0]  }
0x24: {  	v4 =	vadd.f32 v7, v4  }
0x25: {  	v7 =	vld [tilespmem:s17+$0xFFFFFFF0]  }
0x26: {  	v4 =	vadd.f32 v6, v4  }
0x27: {  	v6 =	vld [tilespmem:s17+$0x0]  }
0x28: {  	v4 =	vadd.f32 v5, v4  }
0x29: {  	v8 =	vld [tilespmem:s17+$0x10]  }
.Ltmp0:
0x2a: {  	v5 =	vadd.f32 v7, v4;
	(pc) =	sbr.rel @p0 .LBB2_2-.Ltmp0, $4  }
0x2b: {  	v4 =	vld [tilespmem:s17+$0x20]  }
0x2c: {  	v6 =	vadd.f32 v6, v5  }
0x2d: {  	v5 =	vld [tilespmem:s17+$0x30]  }
0x2e: {  	s17 =	sadd.s32 $0x80, s17;
	v6 =	vadd.f32 v8, v6  }
0x2f: {  	_ = 	snop  }
0x30: {  	v4 =	vadd.f32 v4, v6;
	_ =	sdelay $0x1  }
0x31: {  	v4 =	vadd.f32 v5, v4;
	_ =	sdelay $0x1  }
0x32: {  	[tilespmem:$0x10000] =	vst v4  }
0x33: {  	v5 =	vld.idx.msk [tilespmem:v0+s12+$0x0], $0xffff;
	_ =	sdelay $0x4  }
0x34: {  	v4 =	vadd.f32 v5, v4;
	_ =	sdelay $0x1  }
0x35: {  	[tilespmem:$0x10000] =	vst v4  }
0x36: {  	v5 =	vld.idx.msk [tilespmem:v1+s12+$0x0], $0xffff;
	_ =	sdelay $0x4  }
0x37: {  	v4 =	vadd.f32 v5, v4;
	_ =	sdelay $0x1  }
0x38: {  	[tilespmem:$0x10000] =	vst v4  }
0x39: {  	v5 =	vld.idx.msk [tilespmem:v2+s12+$0x0], $0xffff;
	_ =	sdelay $0x4  }
0x3a: {  	v4 =	vadd.f32 v5, v4;
	_ =	sdelay $0x1  }
0x3b: {  	[tilespmem:$0x10000] =	vst v4  }
0x3c: {  	v5 =	vld.idx.msk [tilespmem:v3+s12+$0x0], $0xffff;
	_ =	sdelay $0x4  }
0x3d: {  	v4 =	vadd.f32 v5, v4;
	_ =	sdelay $0x1  }
0x3e: {  	(erf) = vrcp.f32 v4;
	_ =	sdelay $0x3  }
0x3f: {  	s16 =	simm.s32 $0x40  }
0x40: {  	v5 =	vld [tilespmem:s16+$0xFFFFFFC0];
	_ =	sdelay $0x1  }
0x41: {  	v6 =	vld [tilespmem:s16+$0xFFFFFFD0];
	_ =	sdelay $0x1  }
0x42: {  	v7 =	vld [tilespmem:s16+$0xFFFFFFE0];
	v4 =	vpop (erf)  }
0x43: {  	v8 =	vmul.f32 v5, v4  }
0x44: {  	v9 =	vld [tilespmem:s16+$0xFFFFFFF0]  }
0x45: {  	v10 =	vmul.f32 v6, v4;
	v5 =	vsub.f32 $1.000000000e+00, v8  }
0x46: {  	v11 =	vld [tilespmem:s16+$0x0]  }
0x47: {  	s17 =	simm.s32 $0x8040;
	v12 =	vsub.f32 $1.000000000e+00, v10;
	v6 =	vmax.f32 v5, $1.192092900e-07;
	v5 =	vmul.f32 v7, v4  }
0x48: {  	v16 =	vld [tilespmem:s16+$0x10];
	[tilespmem:s17+$0xFFFFFFC0] =	vst v8;
	v7 =	vmul.f32 v6, v6  }
0x49: {  	[tilespmem:s17+$0xFFFFFFD0] =	vst v10;
	v12 =	vmax.f32 v12, $1.192092900e-07;
	v6 =	vmul.f32 v9, v4;
	v13 =	vsub.f32 $1.000000000e+00, v5  }
0x4a: {  	v14 =	vimm.f32 $0.0e+00;
	v15 =	vmul.f32 v12, v12;
	v9 =	vld [tilespmem:s16+$0x20];
	[tilespmem:s17+$0xFFFFFFE0] =	vst v5;
	v8 =	vmul.f32 v7, v8  }
0x4b: {  	[tilespmem:s17+$0xFFFFFFF0] =	vst v6;
	v17 =	vsub.f32 $1.000000000e+00, v6;
	v7 =	vmul.f32 v11, v4;
	v13 =	vmax.f32 v13, $1.192092900e-07  }
0x4c: {  	v11 =	vmul.f32 v15, v10;
	v10 =	vld [tilespmem:s16+$0x30];
	[tilespmem:s16+$0xFFFFFFC0] =	vst v8;
	v12 =	vadd.f32 v8, v14;
	v13 =	vmul.f32 v13, v13  }
0x4d: {  	s18 =	simm.s32 $0x0;
	s19 =	simm.s32 $0xC0;
	v14 =	vmax.f32 v17, $1.192092900e-07;
	[tilespmem:s17+$0x0] =	vst v7;
	v15 =	vsub.f32 $1.000000000e+00, v7;
	v8 =	vmul.f32 v16, v4  }
.LBB2_4:
0x4e: {  	v16 =	vld [tilespmem:s19+$0xFFFFFFC0];
	s18 =	sadd.s32 $0x80, s18;
	[tilespmem:s16+$0xFFFFFFD0] =	vst v11;
	v11 =	vadd.f32 v11, v12;
	v5 =	vmul.f32 v13, v5;
	v12 =	vmul.f32 v14, v14  }
0x4f: {  	p0 =	slt.u32 s18, $0x7F80;
	v13 =	vmax.f32 v15, $1.192092900e-07;
	[tilespmem:s17+$0x10] =	vst v8;
	v14 =	vsub.f32 $1.000000000e+00, v8;
	v9 =	vmul.f32 v9, v4  }
0x50: {  	v15 =	vld [tilespmem:s19+$0xFFFFFFD0];
	[tilespmem:s16+$0xFFFFFFE0] =	vst v5;
	v5 =	vadd.f32 v5, v11;
	v6 =	vmul.f32 v12, v6;
	v11 =	vmul.f32 v13, v13  }
0x51: {  	v12 =	vmax.f32 v14, $1.192092900e-07;
	[tilespmem:s17+$0x20] =	vst v9;
	v13 =	vsub.f32 $1.000000000e+00, v9;
	v10 =	vmul.f32 v10, v4  }
0x52: {  	v14 =	vld [tilespmem:s19+$0xFFFFFFE0];
	[tilespmem:s16+$0xFFFFFFF0] =	vst v6;
	v5 =	vadd.f32 v6, v5;
	v6 =	vmul.f32 v11, v7;
	v7 =	vmul.f32 v12, v12  }
0x53: {  	v11 =	vmul.f32 v16, v4;
	v12 =	vmax.f32 v13, $1.192092900e-07;
	[tilespmem:s17+$0x30] =	vst v10;
	v13 =	vsub.f32 $1.000000000e+00, v10  }
0x54: {  	s17 =	sadd.s32 $0x80, s17;
	v16 =	vld [tilespmem:s19+$0xFFFFFFF0];
	[tilespmem:s16+$0x0] =	vst v6;
	v5 =	vadd.f32 v6, v5;
	v6 =	vmul.f32 v7, v8;
	v7 =	vmul.f32 v12, v12  }
0x55: {  	[tilespmem:s17+$0xFFFFFFC0] =	vst v11;
	v8 =	vsub.f32 $1.000000000e+00, v11;
	v15 =	vmul.f32 v15, v4;
	v12 =	vmax.f32 v13, $1.192092900e-07  }
0x56: {  	v13 =	vld [tilespmem:s19+$0x0];
	[tilespmem:s16+$0x10] =	vst v6;
	v6 =	vadd.f32 v6, v5;
	v7 =	vmul.f32 v7, v9;
	v9 =	vmul.f32 v12, v12  }
0x57: {  	v8 =	vmax.f32 v8, $1.192092900e-07;
	[tilespmem:s17+$0xFFFFFFD0] =	vst v15;
	v12 =	vsub.f32 $1.000000000e+00, v15;
	v5 =	vmul.f32 v14, v4  }
0x58: {  	v8 =	vmul.f32 v8, v8;
	v17 =	vld [tilespmem:s19+$0x10];
	[tilespmem:s16+$0x20] =	vst v7;
	v7 =	vadd.f32 v7, v6;
	v10 =	vmul.f32 v9, v10  }
.Ltmp1:
0x59: {  	v9 =	vmax.f32 v12, $1.192092900e-07;
	[tilespmem:s17+$0xFFFFFFE0] =	vst v5;
	v12 =	vsub.f32 $1.000000000e+00, v5;
	v6 =	vmul.f32 v16, v4;
	(pc) =	sbr.rel @p0 .LBB2_4-.Ltmp1, $4  }
0x5a: {  	v8 =	vmul.f32 v8, v11;
	v11 =	vmul.f32 v9, v9;
	v9 =	vld [tilespmem:s19+$0x20];
	[tilespmem:s16+$0x30] =	vst v10;
	v10 =	vadd.f32 v10, v7;
	s16 =	smov.u32 s19  }
0x5b: {  	v14 =	vmax.f32 v12, $1.192092900e-07;
	[tilespmem:s17+$0xFFFFFFF0] =	vst v6;
	v16 =	vsub.f32 $1.000000000e+00, v6;
	v7 =	vmul.f32 v13, v4  }
0x5c: {  	[tilespmem:s19+$0xFFFFFFC0] =	vst v8;
	v12 =	vadd.f32 v8, v10;
	v11 =	vmul.f32 v11, v15;
	v13 =	vmul.f32 v14, v14;
	v10 =	vld [tilespmem:s19+$0x30]  }
0x5d: {  	s19 =	sadd.s32 $0x80, s19;
	v14 =	vmax.f32 v16, $1.192092900e-07;
	[tilespmem:s17+$0x0] =	vst v7;
	v15 =	vsub.f32 $1.000000000e+00, v7;
	v8 =	vmul.f32 v17, v4  }
0x5e: {  	v12 =	vadd.f32 v11, v12;
	v5 =	vmul.f32 v13, v5;
	v50 =	vmul.f32 v14, v14  }
0x5f: {  	v51 =	vmax.f32 v15, $1.192092900e-07;
	v52 =	vsub.f32 $1.000000000e+00, v8;
	v9 =	vmul.f32 v9, v4  }
0x60: {  	v12 =	vadd.f32 v5, v12;
	v6 =	vmul.f32 v50, v6;
	v53 =	vmul.f32 v51, v51  }
0x61: {  	v54 =	vmax.f32 v52, $1.192092900e-07;
	v55 =	vsub.f32 $1.000000000e+00, v9;
	v4 =	vmul.f32 v10, v4  }
0x62: {  	[tilespmem:s16+$0xFFFFFFD0] =	vst v11;
	v56 =	vadd.f32 v6, v12;
	v7 =	vmul.f32 v53, v7;
	v57 =	vmul.f32 v54, v54  }
0x63: {  	[tilespmem:s17+$0x10] =	vst v8;
	v58 =	vmax.f32 v55, $1.192092900e-07;
	v59 =	vsub.f32 $1.000000000e+00, v4  }
0x64: {  	[tilespmem:s16+$0xFFFFFFE0] =	vst v5;
	v5 =	vadd.f32 v7, v56;
	v60 =	vmul.f32 v57, v8;
	v61 =	vmul.f32 v58, v58  }
0x65: {  	[tilespmem:s17+$0x20] =	vst v9;
	v62 =	vmax.f32 v59, $1.192092900e-07  }
0x66: {  	[tilespmem:s16+$0xFFFFFFF0] =	vst v6;
	v5 =	vadd.f32 v60, v5;
	v6 =	vmul.f32 v61, v9;
	v63 =	vmul.f32 v62, v62  }
0x67: {  	[tilespmem:s17+$0x30] =	vst v4  }
0x68: {  	[tilespmem:s16+$0x0] =	vst v7;
	v5 =	vadd.f32 v6, v5;
	v4 =	vmul.f32 v63, v4  }
0x69: {  	[tilespmem:s16+$0x10] =	vst v60  }
0x6a: {  	[tilespmem:s16+$0x20] =	vst v6;
	v5 =	vadd.f32 v4, v5  }
0x6b: {  	[tilespmem:s16+$0x30] =	vst v4  }
0x6c: {  	[tilespmem:$0x10000] =	vst v5  }
0x6d: {  	v4 =	vld.idx.msk [tilespmem:v0+s12+$0x0], $0xffff;
	_ =	sdelay $0x4  }
0x6e: {  	v4 =	vadd.f32 v4, v5;
	_ =	sdelay $0x1  }
0x6f: {  	[tilespmem:$0x10000] =	vst v4  }
0x70: {  	v5 =	vld.idx.msk [tilespmem:v1+s12+$0x0], $0xffff;
	_ =	sdelay $0x4  }
0x71: {  	v4 =	vadd.f32 v5, v4;
	_ =	sdelay $0x1  }
0x72: {  	[tilespmem:$0x10000] =	vst v4  }
0x73: {  	v5 =	vld.idx.msk [tilespmem:v2+s12+$0x0], $0xffff;
	_ =	sdelay $0x4  }
0x74: {  	v4 =	vadd.f32 v5, v4;
	_ =	sdelay $0x1  }
0x75: {  	[tilespmem:$0x10000] =	vst v4  }
0x76: {  	v5 =	vld.idx.msk [tilespmem:v3+s12+$0x0], $0xffff;
	_ =	sdelay $0x4  }
0x77: {  	s16 =	simm.s32 $0x0;
	v4 =	vadd.f32 v5, v4  }
.LBB2_6:
0x78: {  	_ = 	snop  }
0x79: {  	(erf) = vrcp.f32 v4;
	_ =	sdelay $0x3  }
0x7a: {  	s17 =	simm.s32 $0x0  }
0x7b: {  	v5 =	vld [tilespmem:s17+$0x0];
	_ =	sdelay $0x1  }
0x7c: {  	v6 =	vld [tilespmem:s17+$0x10];
	_ =	sdelay $0x1  }
0x7d: {  	v7 =	vld [tilespmem:s17+$0x20];
	v4 =	vpop (erf)  }
0x7e: {  	v9 =	vmul.f32 v5, v4  }
0x7f: {  	v10 =	vld [tilespmem:s17+$0x30]  }
0x80: {  	v12 =	vld [tilespmem:s17+$0x40];
	v11 =	vmul.f32 v6, v4;
	v5 =	vsub.f32 $1.000000000e+00, v9  }
0x81: {  	v8 =	vld [tilespmem:s17+$0x50]  }
0x82: {  	[tilespmem:s17+$0x8000] =	vst.add.f32.msk $0xffff, v9;
	v13 =	vsub.f32 $1.000000000e+00, v11;
	v6 =	vmax.f32 v5, $1.192092900e-07;
	v5 =	vmul.f32 v7, v4  }
0x83: {  	[tilespmem:s17+$0x8010] =	vst.add.f32.msk $0xffff, v11;
	v7 =	vmul.f32 v6, v6  }
0x84: {  	v13 =	vmax.f32 v13, $1.192092900e-07;
	v6 =	vmul.f32 v10, v4;
	[tilespmem:s17+$0x8020] =	vst.add.f32.msk $0xffff, v5;
	v14 =	vsub.f32 $1.000000000e+00, v5  }
0x85: {  	v10 =	vimm.f32 $0.0e+00;
	v13 =	vmul.f32 v13, v13;
	v15 =	vmul.f32 v7, v9;
	v9 =	vld [tilespmem:s17+$0x60]  }
0x86: {  	[tilespmem:s17+$0x8030] =	vst.add.f32.msk $0xffff, v6;
	v7 =	vmul.f32 v12, v4;
	v16 =	vmax.f32 v14, $1.192092900e-07;
	v14 =	vsub.f32 $1.000000000e+00, v6  }
0x87: {  	s18 =	simm.s32 $0x0;
	s19 =	simm.s32 $0x200;
	v11 =	vmul.f32 v13, v11;
	[tilespmem:s17+$0x0] =	vst v15;
	v12 =	vadd.f32 v15, v10;
	v13 =	vmul.f32 v16, v16;
	v10 =	vld [tilespmem:s17+$0x70]  }
.LBB2_7:
0x88: {  	s20 =	sshra.s32 s19, $0x2;
	s18 =	sadd.s32 $0x80, s18;
	v14 =	vmax.f32 v14, $1.192092900e-07;
	[tilespmem:s17+$0x8040] =	vst.add.f32.msk $0xffff, v7;
	v15 =	vsub.f32 $1.000000000e+00, v7;
	v8 =	vmul.f32 v8, v4  }
0x89: {  	v16 =	vld [tilespmem:s20+$0x0];
	p0 =	slt.u32 s18, $0x7F80;
	[tilespmem:s17+$0x10] =	vst v11;
	v11 =	vadd.f32 v11, v12;
	v5 =	vmul.f32 v13, v5;
	v12 =	vmul.f32 v14, v14  }
0x8a: {  	v13 =	vmax.f32 v15, $1.192092900e-07;
	[tilespmem:s17+$0x8050] =	vst.add.f32.msk $0xffff, v8;
	v14 =	vsub.f32 $1.000000000e+00, v8;
	v9 =	vmul.f32 v9, v4  }
0x8b: {  	v15 =	vld [tilespmem:s20+$0x10];
	[tilespmem:s17+$0x20] =	vst v5;
	v5 =	vadd.f32 v5, v11;
	v6 =	vmul.f32 v12, v6;
	v11 =	vmul.f32 v13, v13  }
0x8c: {  	v12 =	vmax.f32 v14, $1.192092900e-07;
	[tilespmem:s17+$0x8060] =	vst.add.f32.msk $0xffff, v9;
	v13 =	vsub.f32 $1.000000000e+00, v9;
	v10 =	vmul.f32 v10, v4  }
0x8d: {  	v14 =	vld [tilespmem:s20+$0x20];
	[tilespmem:s17+$0x30] =	vst v6;
	v5 =	vadd.f32 v6, v5;
	v6 =	vmul.f32 v11, v7;
	v7 =	vmul.f32 v12, v12  }
0x8e: {  	v11 =	vmul.f32 v16, v4;
	v12 =	vmax.f32 v13, $1.192092900e-07;
	[tilespmem:s17+$0x8070] =	vst.add.f32.msk $0xffff, v10;
	v13 =	vsub.f32 $1.000000000e+00, v10  }
0x8f: {  	v16 =	vld [tilespmem:s20+$0x30];
	[tilespmem:s17+$0x40] =	vst v6;
	v5 =	vadd.f32 v6, v5;
	v6 =	vmul.f32 v7, v8;
	v7 =	vmul.f32 v12, v12  }
0x90: {  	[tilespmem:s20+$0x8000] =	vst.add.f32.msk $0xffff, v11;
	v8 =	vsub.f32 $1.000000000e+00, v11;
	v15 =	vmul.f32 v15, v4;
	v12 =	vmax.f32 v13, $1.192092900e-07  }
0x91: {  	v13 =	vld [tilespmem:s20+$0x40];
	[tilespmem:s17+$0x50] =	vst v6;
	v6 =	vadd.f32 v6, v5;
	v7 =	vmul.f32 v7, v9;
	v9 =	vmul.f32 v12, v12  }
0x92: {  	v8 =	vmax.f32 v8, $1.192092900e-07;
	[tilespmem:s20+$0x8010] =	vst.add.f32.msk $0xffff, v15;
	v12 =	vsub.f32 $1.000000000e+00, v15;
	v5 =	vmul.f32 v14, v4  }
.Ltmp2:
0x93: {  	v14 =	vmul.f32 v8, v8;
	v8 =	vld [tilespmem:s20+$0x50];
	[tilespmem:s17+$0x60] =	vst v7;
	v7 =	vadd.f32 v7, v6;
	v10 =	vmul.f32 v9, v10;
	(pc) =	sbr.rel @p0 .LBB2_7-.Ltmp2, $4  }
0x94: {  	v9 =	vmax.f32 v12, $1.192092900e-07;
	[tilespmem:s20+$0x8020] =	vst.add.f32.msk $0xffff, v5;
	v12 =	vsub.f32 $1.000000000e+00, v5;
	v6 =	vmul.f32 v16, v4  }
0x95: {  	v11 =	vmul.f32 v14, v11;
	v16 =	vmul.f32 v9, v9;
	v9 =	vld [tilespmem:s20+$0x60];
	[tilespmem:s17+$0x70] =	vst v10;
	v10 =	vadd.f32 v10, v7;
	s17 =	smov.u32 s20  }
0x96: {  	v17 =	vmax.f32 v12, $1.192092900e-07;
	[tilespmem:s17+$0x8030] =	vst.add.f32.msk $0xffff, v6;
	v14 =	vsub.f32 $1.000000000e+00, v6;
	v7 =	vmul.f32 v13, v4  }
0x97: {  	s19 =	sadd.s32 $0x200, s19;
	[tilespmem:s17+$0x0] =	vst v11;
	v12 =	vadd.f32 v11, v10;
	v11 =	vmul.f32 v16, v15;
	v13 =	vmul.f32 v17, v17;
	v10 =	vld [tilespmem:s17+$0x70]  }
0x98: {  	v14 =	vmax.f32 v14, $1.192092900e-07;
	v15 =	vsub.f32 $1.000000000e+00, v7;
	v8 =	vmul.f32 v8, v4  }
0x99: {  	v12 =	vadd.f32 v11, v12;
	v5 =	vmul.f32 v13, v5;
	v51 =	vmul.f32 v14, v14  }
0x9a: {  	v52 =	vmax.f32 v15, $1.192092900e-07;
	v53 =	vsub.f32 $1.000000000e+00, v8;
	v9 =	vmul.f32 v9, v4  }
0x9b: {  	v12 =	vadd.f32 v5, v12;
	v6 =	vmul.f32 v51, v6;
	v54 =	vmul.f32 v52, v52  }
0x9c: {  	[tilespmem:s17+$0x8040] =	vst.add.f32.msk $0xffff, v7;
	v55 =	vmax.f32 v53, $1.192092900e-07;
	v56 =	vsub.f32 $1.000000000e+00, v9;
	v4 =	vmul.f32 v10, v4  }
0x9d: {  	[tilespmem:s17+$0x10] =	vst v11;
	v57 =	vadd.f32 v6, v12;
	v7 =	vmul.f32 v54, v7;
	v58 =	vmul.f32 v55, v55  }
0x9e: {  	[tilespmem:s17+$0x8050] =	vst.add.f32.msk $0xffff, v8;
	v59 =	vmax.f32 v56, $1.192092900e-07;
	v60 =	vsub.f32 $1.000000000e+00, v4  }
0x9f: {  	[tilespmem:s17+$0x20] =	vst v5;
	v5 =	vadd.f32 v7, v57;
	v8 =	vmul.f32 v58, v8;
	v61 =	vmul.f32 v59, v59  }
0xa0: {  	[tilespmem:s17+$0x8060] =	vst.add.f32.msk $0xffff, v9;
	v62 =	vmax.f32 v60, $1.192092900e-07  }
0xa1: {  	[tilespmem:s17+$0x30] =	vst v6;
	v5 =	vadd.f32 v8, v5;
	v6 =	vmul.f32 v61, v9;
	v63 =	vmul.f32 v62, v62  }
0xa2: {  	[tilespmem:s17+$0x8070] =	vst.add.f32.msk $0xffff, v4  }
0xa3: {  	[tilespmem:s17+$0x40] =	vst v7;
	v5 =	vadd.f32 v6, v5;
	v4 =	vmul.f32 v63, v4  }
0xa4: {  	[tilespmem:s17+$0x50] =	vst v8  }
0xa5: {  	[tilespmem:s17+$0x60] =	vst v6;
	v5 =	vadd.f32 v4, v5  }
0xa6: {  	[tilespmem:s17+$0x70] =	vst v4  }
0xa7: {  	[tilespmem:$0x10000] =	vst v5  }
0xa8: {  	v4 =	vld.idx.msk [tilespmem:v0+s12+$0x0], $0xffff;
	_ =	sdelay $0x4  }
0xa9: {  	v4 =	vadd.f32 v4, v5;
	_ =	sdelay $0x1  }
0xaa: {  	[tilespmem:$0x10000] =	vst v4  }
0xab: {  	v5 =	vld.idx.msk [tilespmem:v1+s12+$0x0], $0xffff;
	_ =	sdelay $0x4  }
0xac: {  	v4 =	vadd.f32 v5, v4;
	_ =	sdelay $0x1  }
0xad: {  	[tilespmem:$0x10000] =	vst v4  }
0xae: {  	v5 =	vld.idx.msk [tilespmem:v2+s12+$0x0], $0xffff;
	_ =	sdelay $0x4  }
0xaf: {  	v4 =	vadd.f32 v5, v4;
	_ =	sdelay $0x1  }
0xb0: {  	s16 =	sadd.s32 $0x1, s16;
	[tilespmem:$0x10000] =	vst v4  }
0xb1: {  	p0 =	sne.s32 s16, $0x8;
	v5 =	vld.idx.msk [tilespmem:v3+s12+$0x0], $0xffff  }
.Ltmp3:
0xb2: {  	_ = 	snop;
	(pc) =	sbr.rel @p0 .LBB2_6-.Ltmp3, $2  }
0xb3: {  	_ =	sdelay $0x2  }
0xb4: {  	v4 =	vadd.f32 v5, v4  }
0xb5: {  	_ = 	snop  }
0xb6: {  	(erf) = vrcp.f32 v4;
	_ =	sdelay $0x3  }
0xb7: {  	s16 =	simm.s32 $0x0  }
0xb8: {  	v5 =	vld [tilespmem:s16+$0x70]  }
0xb9: {  	v6 =	vld [tilespmem:s16+$0x0]  }
0xba: {  	v7 =	vld [tilespmem:s16+$0x10]  }
0xbb: {  	v8 =	vld [tilespmem:s16+$0x20]  }
0xbc: {  	v9 =	vld [tilespmem:s16+$0x30];
	v4 =	vpop (erf)  }
0xbd: {  	v11 =	vld [tilespmem:s16+$0x50];
	v5 =	vmul.f32 v5, v4  }
0xbe: {  	v10 =	vld [tilespmem:s16+$0x40]  }
0xbf: {  	v6 =	vmul.f32 v6, v4;
	[tilespmem:s16+$0x8070] =	vst.add.f32.msk $0xffff, v5  }
0xc0: {  	v8 =	vmul.f32 v8, v4;
	v5 =	vmul.f32 v7, v4;
	v7 =	vld [tilespmem:s16+$0x60]  }
0xc1: {  	[tilespmem:s16+$0x8000] =	vst.add.f32.msk $0xffff, v6  }
0xc2: {  	v63 =	vmul.f32 v11, v4;
	[tilespmem:s16+$0x8020] =	vst.add.f32.msk $0xffff, v8  }
0xc3: {  	[tilespmem:s16+$0x8010] =	vst.add.f32.msk $0xffff, v5;
	v5 =	vmul.f32 v10, v4  }
0xc4: {  	v6 =	vmul.f32 v9, v4;
	[tilespmem:s16+$0x8050] =	vst.add.f32.msk $0xffff, v63  }
0xc5: {  	[tilespmem:s16+$0x8040] =	vst.add.f32.msk $0xffff, v5;
	v5 =	vmul.f32 v7, v4  }
0xc6: {  	s17 =	simm.s32 $0x0;
	s18 =	simm.s32 $0x200;
	[tilespmem:s16+$0x8030] =	vst.add.f32.msk $0xffff, v6  }
.LBB2_10:
0xc7: {  	s17 =	sadd.s32 $0x80, s17;
	[tilespmem:s16+$0x8060] =	vst.add.f32.msk $0xffff, v5;
	s16 =	sshra.s32 s18, $0x2  }
0xc8: {  	v5 =	vld [tilespmem:s16+$0x70];
	p0 =	slt.u32 s17, $0x7F80  }
0xc9: {  	v6 =	vld [tilespmem:s16+$0x0]  }
0xca: {  	v7 =	vld [tilespmem:s16+$0x10]  }
0xcb: {  	v8 =	vld [tilespmem:s16+$0x20]  }
0xcc: {  	v9 =	vld [tilespmem:s16+$0x30]  }
0xcd: {  	v10 =	vld [tilespmem:s16+$0x40];
	v5 =	vmul.f32 v5, v4  }
0xce: {  	v6 =	vmul.f32 v6, v4;
	v11 =	vld [tilespmem:s16+$0x50]  }
0xcf: {  	v7 =	vmul.f32 v7, v4;
	[tilespmem:s16+$0x8070] =	vst.add.f32.msk $0xffff, v5  }
0xd0: {  	v5 =	vmul.f32 v8, v4;
	v8 =	vld [tilespmem:s16+$0x60]  }
0xd1: {  	[tilespmem:s16+$0x8000] =	vst.add.f32.msk $0xffff, v6;
	v6 =	vmul.f32 v9, v4  }
.Ltmp4:
0xd2: {  	[tilespmem:s16+$0x8010] =	vst.add.f32.msk $0xffff, v7;
	v7 =	vmul.f32 v10, v4;
	(pc) =	sbr.rel @p0 .LBB2_10-.Ltmp4, $4  }
0xd3: {  	[tilespmem:s16+$0x8020] =	vst.add.f32.msk $0xffff, v5;
	v9 =	vmul.f32 v11, v4  }
0xd4: {  	[tilespmem:s16+$0x8030] =	vst.add.f32.msk $0xffff, v6  }
0xd5: {  	[tilespmem:s16+$0x8040] =	vst.add.f32.msk $0xffff, v7;
	v5 =	vmul.f32 v8, v4  }
0xd6: {  	s18 =	sadd.s32 $0x200, s18;
	[tilespmem:s16+$0x8050] =	vst.add.f32.msk $0xffff, v9  }
0xd7: {  	[tilespmem:s16+$0x8060] =	vst.add.f32.msk $0xffff, v5  }
0xd8: {  	[hbm4b:s6+s1] =	stream.linear.scatter [tilespmem:s13], [sflag:$0x2], $0x8000, $0x38;
	[tilespmem:$0x18080] =	vst v63  }
0xd9: {  	_ =	swait.ge [sflag:s11], $0x8000  }
0xda: {  	[sflag:s11] =	ssyncset.done $0x0  }
0xdb: {  	[sflag:s11] =	ssyncadd.s32 $0xFFFF8000  }
0xdc: {  	s15 =	sadd.s32 $0x1, s15;
	_ =	swait.ge [sflag:s14], $0x8000  }
0xdd: {  	p0 =	sne.s32 s15, s7;
	[sflag:s14] =	ssyncset.done $0x0  }
.Ltmp5:
0xde: {  	[sflag:s14] =	ssyncadd.s32 $0xFFFF8000;
	(pc) =	sbr.rel @p0 .LBB2_1-.Ltmp5, $4  }
0xdf: {  	[hbm4b:s3+s1] =	stream.linear.scatter [tilespmem:s8], [sflag:$0x2], $0x8000, $0x38;
	[tilespmem:$0x18080] =	vst v63  }
0xe0: {  	_ =	swait.ge [sflag:s11], $0x8000  }
0xe1: {  	[sflag:s11] =	ssyncset.done $0x0  }
0xe2: {  	[sflag:s11] =	ssyncadd.s32 $0xFFFF8000  }
0xe3: {  	_ =	sfence.sel $0x180000  }
0xe4: {  	[bflag:$0x0] =	sbarrier.arrive $0xFFFF  }
0xe5: {  	p0 =	sne.s32 s0, $0x0;
	_ =	strace $0x9000004A  }
0xe6: {  	s0 =	sadd.s32 @!p0 $0x100000, s2;
	[bflag:$0x2] =	sbarrier.arrive $0xFFFF  }
0xe7: {  	[sflag:s0] =	ssyncadd.tile.s32 @!p0 $0x1;
	_ =	shalt  }
.Lfunc_end2:
_tile_overlayer_lowered:
.L_overlay_start_2:
0xe8: {  	(tag) =	ssettag $0x2  }
0xe9: {  	s0 =	rddreg [dreg:$0x0];
	s2 =	stileid.u32  }
0xea: {  	s1 =	rddreg [dreg:$0x1];
	p0 =	sne.s32 s2, $0x0  }
0xeb: {  	s3 =	rddreg [dreg:$0x2];
	[bflag:$0x3] =	sbarrier.arrive $0xFFFF;
	s2 =	simm.s32 @!p0 $0x1C02  }
0xec: {  	[timem:s3], [sflag:s2] =	dma.local @!p0 [hbm:s0], s1  }
0xed: {  	s0 =	simm.s32 @!p0 $0x2  }
0xee: {  	_ =	swait.ge @!p0 [sflag:s0], s1  }
0xef: {  	s1 =	ssub.s32 @!p0 $0x0, s1;
	[sflag:s0] =	ssyncset.done @!p0 $0x0  }
0xf0: {  	[sflag:s0] =	ssyncadd.s32 @!p0 s1  }
0xf1: {  	[bflag:$0x3] =	sbarrier.arrive $0xFFFF  }
0xf2: {  	_ =	shalt  }

</sc_bundles>
